<compile_context>
chip_gen: v7x
topology: tpu7x:2x2x1
jax: 0.10.2.dev20260603
libtpu: 0.0.44.dev20260713+nightly
codegen_flags: <defaults>
</compile_context>

<pallas_src>
import jax
import jax.numpy as jnp
from jax import lax
from jax.experimental import pallas as pl
from jax.experimental.pallas import tpu as pltpu
from jax.experimental.pallas import tpu_sc as plsc

NC = 2
NS = 16
NW = NC * NS
K = 80
CW = 16



_SC_PARAMS = pltpu.CompilerParams(use_tc_tiling_on_sc=False)


def _make_agg(n, d, nchunk_w):
    mesh = plsc.VectorSubcoreMesh(core_axis_name="c", subcore_axis_name="s")
    out_type = [jax.ShapeDtypeStruct((NC, n, d), jnp.float32)]
    scratch = [
        pltpu.VMEM((nchunk_w, K), jnp.int32),
        pltpu.VMEM((nchunk_w, K), jnp.int32),
        pltpu.VMEM((2, K, d), jnp.float32),
        pltpu.VMEM_SHARED((n, d), jnp.float32),
        pltpu.SemaphoreType.DMA,
        pltpu.SemaphoreType.DMA,
    ]

    def body(y_hbm, src_hbm, dst_hbm, zacc_hbm, acc_out,
             sidx, didx, rows, acc_sh, sem0, sem1):
        c = lax.axis_index("c")
        s = lax.axis_index("s")
        wid = c * NS + s

        @pl.when(s == 0)
        def _():
            pltpu.sync_copy(zacc_hbm, acc_sh)

        pltpu.sync_copy(src_hbm.at[wid], sidx)
        pltpu.sync_copy(dst_hbm.at[wid], didx)
        plsc.subcore_barrier()

        sems = (sem0, sem1)

        def start(j, b):
            pltpu.async_copy(y_hbm.at[sidx.at[j]], rows.at[b], sems[b])

        def wait(j, b):
            pltpu.make_async_copy(y_hbm.at[sidx.at[j]], rows.at[b],
                                  sems[b]).wait()

        def drain(j, b):
            pltpu.sync_copy(rows.at[b], acc_sh.at[didx.at[j]], add=True)

        start(0, 0)

        def step(it, carry):
            for b in range(2):
                j = it * 2 + b
                start(j + 1, 1 - b)
                wait(j, b)
                drain(j, b)
            return carry

        lax.fori_loop(0, (nchunk_w - 1) // 2, step, 0)
        jlast = nchunk_w - 1
        wait(jlast, jlast % 2)
        drain(jlast, jlast % 2)

        plsc.subcore_barrier()
        rpt = (n // NS) // 8 * 8
        tail = n - NS * rpt
        pltpu.sync_copy(acc_sh.at[pl.ds(s * rpt, rpt)],
                        acc_out.at[c].at[pl.ds(s * rpt, rpt)])
        if tail:
            @pl.when(s == NS - 1)
            def _():
                pltpu.sync_copy(acc_sh.at[pl.ds(NS * rpt, tail)],
                                acc_out.at[c].at[pl.ds(NS * rpt, tail)])

    return pl.kernel(body, out_type=out_type, mesh=mesh,
                     scratch_types=scratch, compiler_params=_SC_PARAMS)


def _make_cnt(n, nchunk_w):
    mesh = plsc.VectorSubcoreMesh(core_axis_name="c", subcore_axis_name="s")
    out_type = [jax.ShapeDtypeStruct((NC, n, CW), jnp.float32)]
    scratch = [
        pltpu.VMEM((nchunk_w, K), jnp.int32),
        pltpu.VMEM((K, CW), jnp.float32),
        pltpu.VMEM_SHARED((n, CW), jnp.float32),
    ]

    def body(dst_hbm, zcnt_hbm, ones_hbm, cnt_out, didx, ones_v, cnt_sh):
        c = lax.axis_index("c")
        s = lax.axis_index("s")
        wid = c * NS + s

        @pl.when(s == 0)
        def _():
            pltpu.sync_copy(zcnt_hbm, cnt_sh)

        pltpu.sync_copy(ones_hbm, ones_v)
        pltpu.sync_copy(dst_hbm.at[wid], didx)
        plsc.subcore_barrier()

        def step(j, carry):
            pltpu.sync_copy(ones_v, cnt_sh.at[didx.at[j]], add=True)
            return carry

        lax.fori_loop(0, nchunk_w, step, 0)

        plsc.subcore_barrier()
        rpt = (n // NS) // 8 * 8
        tail = n - NS * rpt
        pltpu.sync_copy(cnt_sh.at[pl.ds(s * rpt, rpt)],
                        cnt_out.at[c].at[pl.ds(s * rpt, rpt)])
        if tail:
            @pl.when(s == NS - 1)
            def _():
                pltpu.sync_copy(cnt_sh.at[pl.ds(NS * rpt, tail)],
                                cnt_out.at[c].at[pl.ds(NS * rpt, tail)])

    return pl.kernel(body, out_type=out_type, mesh=mesh,
                     scratch_types=scratch, compiler_params=_SC_PARAMS)



def _tc_pre(x, wl_t, wr_t, b):
    n, d = x.shape
    blk = 1000
    grid = n // blk

    def body(x_ref, wl_ref, wr_ref, b_ref, y_ref, r_ref):
        xb = x_ref[...]
        y_ref[...] = jnp.dot(xb, wl_ref[...],
                             preferred_element_type=jnp.float32)
        r_ref[...] = jnp.dot(xb, wr_ref[...],
                             preferred_element_type=jnp.float32) + b_ref[...]

    return pl.pallas_call(
        body,
        grid=(grid,),
        in_specs=[pl.BlockSpec((blk, d), lambda i: (i, 0)),
                  pl.BlockSpec((d, d), lambda i: (0, 0)),
                  pl.BlockSpec((d, d), lambda i: (0, 0)),
                  pl.BlockSpec((1, d), lambda i: (0, 0))],
        out_specs=[pl.BlockSpec((blk, d), lambda i: (i, 0)),
                   pl.BlockSpec((blk, d), lambda i: (i, 0))],
        out_shape=[jax.ShapeDtypeStruct((n, d), jnp.float32)] * 2,
    )(x, wl_t, wr_t, b.reshape(1, d))


def _tc_mid(s1, cnt, r1, wl_t, wr_t, b):
    _, n, d = s1.shape
    blk = 1000
    grid = n // blk

    def body(s_ref, c_ref, r_ref, wl_ref, wr_ref, b_ref, y_ref, r2_ref):
        ssum = s_ref[0] + s_ref[1]
        csum = c_ref[0] + c_ref[1]
        cnt_col = csum[:, 0:1]
        mean = ssum / jnp.clip(cnt_col, 1.0, None)
        h = jnp.maximum(mean + r_ref[...], 0.0)
        y_ref[...] = jnp.dot(h, wl_ref[...],
                             preferred_element_type=jnp.float32)
        r2_ref[...] = jnp.dot(h, wr_ref[...],
                              preferred_element_type=jnp.float32) + b_ref[...]

    return pl.pallas_call(
        body,
        grid=(grid,),
        in_specs=[pl.BlockSpec((NC, blk, d), lambda i: (0, i, 0)),
                  pl.BlockSpec((NC, blk, CW), lambda i: (0, i, 0)),
                  pl.BlockSpec((blk, d), lambda i: (i, 0)),
                  pl.BlockSpec((d, d), lambda i: (0, 0)),
                  pl.BlockSpec((d, d), lambda i: (0, 0)),
                  pl.BlockSpec((1, d), lambda i: (0, 0))],
        out_specs=[pl.BlockSpec((blk, d), lambda i: (i, 0)),
                   pl.BlockSpec((blk, d), lambda i: (i, 0))],
        out_shape=[jax.ShapeDtypeStruct((n, d), jnp.float32)] * 2,
    )(s1, cnt, r1, wl_t, wr_t, b.reshape(1, d))


def _tc_post(s2, cnt, r2, batch3, g):
    _, n, d = s2.shape
    blk = 1000
    grid = n // blk

    def body(s_ref, c_ref, r_ref, b_ref, out_ref, acc_ref, csum_ref):
        i = pl.program_id(0)
        ssum = s_ref[0] + s_ref[1]
        csum = c_ref[0] + c_ref[1]
        cnt_col = csum[:, 0:1]
        out_nodes = ssum / jnp.clip(cnt_col, 1.0, None) + r_ref[...]
        bids = b_ref[0]
        gid = lax.broadcasted_iota(jnp.int32, (g, blk), 0)
        mask = (gid == bids).astype(jnp.float32)

        @pl.when(i == 0)
        def _():
            acc_ref[...] = jnp.zeros_like(acc_ref)
            csum_ref[...] = jnp.zeros_like(csum_ref)

        acc_ref[...] += jnp.dot(mask, out_nodes,
                                preferred_element_type=jnp.float32)
        csum_ref[...] += jnp.broadcast_to(
            jnp.sum(mask, axis=1, keepdims=True), (g, d))

        @pl.when(i == grid - 1)
        def _():
            out_ref[...] = acc_ref[...] / jnp.clip(csum_ref[...], 1.0, None)

    return pl.pallas_call(
        body,
        grid=(grid,),
        in_specs=[pl.BlockSpec((NC, blk, d), lambda i: (0, i, 0)),
                  pl.BlockSpec((NC, blk, CW), lambda i: (0, i, 0)),
                  pl.BlockSpec((blk, d), lambda i: (i, 0)),
                  pl.BlockSpec((1, 1, blk), lambda i: (i, 0, 0))],
        out_specs=pl.BlockSpec((g, d), lambda i: (0, 0)),
        out_shape=jax.ShapeDtypeStruct((g, d), jnp.float32),
        scratch_shapes=[pltpu.VMEM((g, d), jnp.float32),
                        pltpu.VMEM((g, d), jnp.float32)],
    )(s2, cnt, r2, batch3)



def kernel(x, edge_index, batch, W1l, b1, W1r, W2l, b2, W2r):
    x = x.astype(jnp.float32)
    n, d = x.shape
    e = edge_index.shape[1]
    g = 64
    assert e % (NW * K) == 0
    nrows = e // K
    nchunk_w = nrows // NW

    src = edge_index[0].astype(jnp.int32).reshape(NW, nchunk_w, K)
    dst = edge_index[1].astype(jnp.int32).reshape(NW, nchunk_w, K)
    batch3 = batch.astype(jnp.int32).reshape(n // 1000, 1, 1000)

    zacc = jnp.zeros((n, d), jnp.float32)
    zcnt = jnp.zeros((n, CW), jnp.float32)
    ones = jnp.ones((K, CW), jnp.float32)

    agg = _make_agg(n, d, nchunk_w)
    cnt_kernel = _make_cnt(n, nchunk_w)

    y1, r1 = _tc_pre(x, W1l.T, W1r.T, b1)
    (cnt,) = cnt_kernel(dst, zcnt, ones)
    (s1,) = agg(y1, src, dst, zacc)
    y2, r2 = _tc_mid(s1, cnt, r1, W2l.T, W2r.T, b2)
    (s2,) = agg(y2, src, dst, zacc)
    return _tc_post(s2, cnt, r2, batch3, g)

# --- scband reference (transcript-rebuilt; emitter-appended) ---
"""Pipeline reference for scband-graph-sage-25237227832046 (READ-ONLY COPY).

The authoritative reference and input builder live on the scoring server;
editing this copy changes nothing except your own understanding.
"""

import jax, jax.numpy as jnp
import numpy as np

N = 10000   # nodes
E = 320000  # edges
D = 128     # in_channels
H = 128     # hidden_channels
O = 128     # out_channels
G = 64      # number of graphs in batch


def setup_inputs(seed: int = 0) -> dict:
    key = jax.random.key(seed)
    ks = jax.random.split(key, 10)
    x = jax.random.normal(ks[0], (N, D), dtype=jnp.float32)
    edge_index = jax.random.randint(ks[1], (2, E), 0, N)
    batch = jnp.sort(jax.random.randint(ks[2], (N,), 0, G))
    # SAGEConv params: lin_l (applied to aggregated neighbors, with bias), lin_r (applied to root, no bias)
    W1l = jax.random.normal(ks[3], (H, D), dtype=jnp.float32) * (1.0 / np.sqrt(D))
    b1 = jnp.zeros((H,), dtype=jnp.float32)
    W1r = jax.random.normal(ks[4], (H, D), dtype=jnp.float32) * (1.0 / np.sqrt(D))
    W2l = jax.random.normal(ks[5], (O, H), dtype=jnp.float32) * (1.0 / np.sqrt(H))
    b2 = jnp.zeros((O,), dtype=jnp.float32)
    W2r = jax.random.normal(ks[6], (O, H), dtype=jnp.float32) * (1.0 / np.sqrt(H))
    return {"x": x, "edge_index": edge_index, "batch": batch,
            "W1l": W1l, "b1": b1, "W1r": W1r,
            "W2l": W2l, "b2": b2, "W2r": W2r}


def _sage_conv(x, edge_index, Wl, b, Wr):
    src = edge_index[0]
    dst = edge_index[1]
    msgs = x[src]  # gather neighbor features [E, d]
    agg = jax.ops.segment_sum(msgs, dst, num_segments=N)
    cnt = jax.ops.segment_sum(jnp.ones((E, 1), dtype=x.dtype), dst, num_segments=N)
    mean = agg / jnp.clip(cnt, 1.0)
    return mean @ Wl.T + b + x @ Wr.T


def reference(x, edge_index, batch, W1l, b1, W1r, W2l, b2, W2r):
    x = x.astype(jnp.float32)
    h = _sage_conv(x, edge_index, W1l, b1, W1r)
    h = jax.nn.relu(h)
    # dropout is identity in eval mode
    h = _sage_conv(h, edge_index, W2l, b2, W2r)
    # global_mean_pool over graph ids
    s = jax.ops.segment_sum(h, batch, num_segments=G)
    c = jax.ops.segment_sum(jnp.ones((N, 1), dtype=h.dtype), batch, num_segments=G)
    return s / jnp.clip(c, 1.0)

if __name__ == "__main__":
    import jax
    _d = setup_inputs()
    print(jax.jit(kernel)(*tuple(_d.values())))

</pallas_src>

<mosaic_0001>
#map = affine_map<(d0, d1) -> (0, 0)>
#map1 = affine_map<(d0, d1) -> (0, 0, 0)>
module attributes {stable_mosaic.version = 14 : i64} {
  func.func @body(%arg0: i32, %arg1: i32, %arg2: memref<10000x128xf32, #tpu.memory_space<hbm>>, %arg3: memref<32x125x80xi32, #tpu.memory_space<hbm>>, %arg4: memref<32x125x80xi32, #tpu.memory_space<hbm>>, %arg5: memref<10000x128xf32, #tpu.memory_space<hbm>>, %arg6: memref<2x10000x128xf32, #tpu.memory_space<hbm>>, %arg7: memref<125x80xi32, #tpu.memory_space<vmem>>, %arg8: memref<125x80xi32, #tpu.memory_space<vmem>>, %arg9: memref<2x80x128xf32, #tpu.memory_space<vmem>>, %arg10: memref<10000x128xf32, #tpu.memory_space<vmem_shared>>, %arg11: memref<!tpu.dma_semaphore, #tpu.memory_space<semaphore_mem>>, %arg12: memref<!tpu.dma_semaphore, #tpu.memory_space<semaphore_mem>>) attributes {dimension_semantics = [#tpu.dimension_semantics<core_parallel>, #tpu.dimension_semantics<subcore_parallel>], iteration_bounds = array<i64: 2, 16>, scalar_prefetch = 0 : i64, scratch_operands = 6 : i64, tpu.core_type = #tpu.core_type<sc_vector_subcore>, window_params = [{transform_indices = #map}, {transform_indices = #map1}, {transform_indices = #map1}, {transform_indices = #map}, {transform_indices = #map1}]} {
    %mul3A = arith.constant 16 : i32
    %mul3A_0 = arith.muli %arg0, %mul3A : i32
    %add3A = arith.addi %mul3A_0, %arg1 : i32
    %eq3A = arith.constant 0 : i32
    %eq3A_1 = arith.cmpi eq, %arg1, %eq3A : i32
    %convert_element_type3A = arith.extui %eq3A_1 : i1 to i32
    %cond3A = arith.constant 0 : i32
    %cond3A_2 = arith.cmpi ne, %convert_element_type3A, %cond3A : i32
    scf.if %cond3A_2 {
      "tpu.region"() ({
        %run_scoped3A_41 = tpu.sem_alloc : memref<!tpu.dma_semaphore, #tpu.memory_space<semaphore_mem>>
        tpu.enqueue_dma source(%arg5 : memref<10000x128xf32, #tpu.memory_space<hbm>>) target(%arg10 : memref<10000x128xf32, #tpu.memory_space<vmem_shared>>) target_semaphore(%run_scoped3A_41 : memref<!tpu.dma_semaphore, #tpu.memory_space<semaphore_mem>>)
        tpu.wait_dma2 semaphore(%run_scoped3A_41 : memref<!tpu.dma_semaphore, #tpu.memory_space<semaphore_mem>>) src(%arg5 : memref<10000x128xf32, #tpu.memory_space<hbm>>) dst(%arg10 : memref<10000x128xf32, #tpu.memory_space<vmem_shared>>)
        tpu.yield
      }) : () -> ()
    } else {
    }
    "tpu.region"() ({
      %run_scoped3A_41 = tpu.sem_alloc : memref<!tpu.dma_semaphore, #tpu.memory_space<semaphore_mem>>
      %dma_start3A_42 = arith.constant 0 : i32
      %dma_start3A_43 = arith.constant 0 : i32
      %dma_start3A_44 = tpu.memref_slice %arg3[%add3A, %dma_start3A_42, %dma_start3A_43] : memref<32x125x80xi32, #tpu.memory_space<hbm>> -> memref<1x125x80xi32, #tpu.memory_space<hbm>>
      %dma_start3A_45 = tpu.memref_squeeze %dma_start3A_44 : memref<1x125x80xi32, #tpu.memory_space<hbm>> -> memref<125x80xi32, #tpu.memory_space<hbm>>
      %dma_start3A_46 = arith.constant 0 : i32
      %dma_start3A_47 = arith.constant 0 : i32
      %dma_start3A_48 = tpu.memref_slice %arg3[%add3A, %dma_start3A_46, %dma_start3A_47] : memref<32x125x80xi32, #tpu.memory_space<hbm>> -> memref<1x125x80xi32, #tpu.memory_space<hbm>>
      %dma_start3A_49 = tpu.memref_squeeze %dma_start3A_48 : memref<1x125x80xi32, #tpu.memory_space<hbm>> -> memref<125x80xi32, #tpu.memory_space<hbm>>
      tpu.enqueue_dma source(%dma_start3A_49 : memref<125x80xi32, #tpu.memory_space<hbm>>) target(%arg7 : memref<125x80xi32, #tpu.memory_space<vmem>>) target_semaphore(%run_scoped3A_41 : memref<!tpu.dma_semaphore, #tpu.memory_space<semaphore_mem>>)
      %dma_wait3A_50 = arith.constant 0 : i32
      %dma_wait3A_51 = arith.constant 0 : i32
      %dma_wait3A_52 = tpu.memref_slice %arg3[%add3A, %dma_wait3A_50, %dma_wait3A_51] : memref<32x125x80xi32, #tpu.memory_space<hbm>> -> memref<1x125x80xi32, #tpu.memory_space<hbm>>
      %dma_wait3A_53 = tpu.memref_squeeze %dma_wait3A_52 : memref<1x125x80xi32, #tpu.memory_space<hbm>> -> memref<125x80xi32, #tpu.memory_space<hbm>>
      %dma_wait3A_54 = arith.constant 0 : i32
      %dma_wait3A_55 = arith.constant 0 : i32
      %dma_wait3A_56 = tpu.memref_slice %arg3[%add3A, %dma_wait3A_54, %dma_wait3A_55] : memref<32x125x80xi32, #tpu.memory_space<hbm>> -> memref<1x125x80xi32, #tpu.memory_space<hbm>>
      %dma_wait3A_57 = tpu.memref_squeeze %dma_wait3A_56 : memref<1x125x80xi32, #tpu.memory_space<hbm>> -> memref<125x80xi32, #tpu.memory_space<hbm>>
      tpu.wait_dma2 semaphore(%run_scoped3A_41 : memref<!tpu.dma_semaphore, #tpu.memory_space<semaphore_mem>>) src(%dma_wait3A_57 : memref<125x80xi32, #tpu.memory_space<hbm>>) dst(%arg7 : memref<125x80xi32, #tpu.memory_space<vmem>>)
      tpu.yield
    }) : () -> ()
    "tpu.region"() ({
      %run_scoped3A_41 = tpu.sem_alloc : memref<!tpu.dma_semaphore, #tpu.memory_space<semaphore_mem>>
      %dma_start3A_42 = arith.constant 0 : i32
      %dma_start3A_43 = arith.constant 0 : i32
      %dma_start3A_44 = tpu.memref_slice %arg4[%add3A, %dma_start3A_42, %dma_start3A_43] : memref<32x125x80xi32, #tpu.memory_space<hbm>> -> memref<1x125x80xi32, #tpu.memory_space<hbm>>
      %dma_start3A_45 = tpu.memref_squeeze %dma_start3A_44 : memref<1x125x80xi32, #tpu.memory_space<hbm>> -> memref<125x80xi32, #tpu.memory_space<hbm>>
      %dma_start3A_46 = arith.constant 0 : i32
      %dma_start3A_47 = arith.constant 0 : i32
      %dma_start3A_48 = tpu.memref_slice %arg4[%add3A, %dma_start3A_46, %dma_start3A_47] : memref<32x125x80xi32, #tpu.memory_space<hbm>> -> memref<1x125x80xi32, #tpu.memory_space<hbm>>
      %dma_start3A_49 = tpu.memref_squeeze %dma_start3A_48 : memref<1x125x80xi32, #tpu.memory_space<hbm>> -> memref<125x80xi32, #tpu.memory_space<hbm>>
      tpu.enqueue_dma source(%dma_start3A_49 : memref<125x80xi32, #tpu.memory_space<hbm>>) target(%arg8 : memref<125x80xi32, #tpu.memory_space<vmem>>) target_semaphore(%run_scoped3A_41 : memref<!tpu.dma_semaphore, #tpu.memory_space<semaphore_mem>>)
      %dma_wait3A_50 = arith.constant 0 : i32
      %dma_wait3A_51 = arith.constant 0 : i32
      %dma_wait3A_52 = tpu.memref_slice %arg4[%add3A, %dma_wait3A_50, %dma_wait3A_51] : memref<32x125x80xi32, #tpu.memory_space<hbm>> -> memref<1x125x80xi32, #tpu.memory_space<hbm>>
      %dma_wait3A_53 = tpu.memref_squeeze %dma_wait3A_52 : memref<1x125x80xi32, #tpu.memory_space<hbm>> -> memref<125x80xi32, #tpu.memory_space<hbm>>
      %dma_wait3A_54 = arith.constant 0 : i32
      %dma_wait3A_55 = arith.constant 0 : i32
      %dma_wait3A_56 = tpu.memref_slice %arg4[%add3A, %dma_wait3A_54, %dma_wait3A_55] : memref<32x125x80xi32, #tpu.memory_space<hbm>> -> memref<1x125x80xi32, #tpu.memory_space<hbm>>
      %dma_wait3A_57 = tpu.memref_squeeze %dma_wait3A_56 : memref<1x125x80xi32, #tpu.memory_space<hbm>> -> memref<125x80xi32, #tpu.memory_space<hbm>>
      tpu.wait_dma2 semaphore(%run_scoped3A_41 : memref<!tpu.dma_semaphore, #tpu.memory_space<semaphore_mem>>) src(%dma_wait3A_57 : memref<125x80xi32, #tpu.memory_space<hbm>>) dst(%arg8 : memref<125x80xi32, #tpu.memory_space<vmem>>)
      tpu.yield
    }) : () -> ()
    %barrier3A = arith.constant 0 : index
    tpu.barrier barrier_id(%barrier3A)
    %dma_start3A = arith.constant 0 : i32
    %dma_start3A_3 = arith.constant 0 : i32
    %dma_start3A_4 = arith.constant 0 : i32
    %dma_start3A_5 = arith.constant 0 : i32
    %dma_start3A_6 = tpu.memref_slice %arg9[%dma_start3A_3, %dma_start3A_4, %dma_start3A_5] : memref<2x80x128xf32, #tpu.memory_space<vmem>> -> memref<1x80x128xf32, #tpu.memory_space<vmem>>
    %dma_start3A_7 = tpu.memref_squeeze %dma_start3A_6 : memref<1x80x128xf32, #tpu.memory_space<vmem>> -> memref<80x128xf32, #tpu.memory_space<vmem>>
    %dma_start3A_8 = arith.constant 0 : i32
    %dma_start3A_9 = tpu.memref_slice %arg7[%dma_start3A, %dma_start3A_8] : memref<125x80xi32, #tpu.memory_space<vmem>> -> memref<1x80xi32, #tpu.memory_space<vmem>>
    %dma_start3A_10 = tpu.memref_squeeze %dma_start3A_9 : memref<1x80xi32, #tpu.memory_space<vmem>> -> memref<80xi32, #tpu.memory_space<vmem>>
    %dma_start3A_11 = arith.constant 0 : i32
    %dma_start3A_12 = arith.constant 0 : i32
    %dma_start3A_13 = tpu.memref_slice %arg2[%dma_start3A_11, %dma_start3A_12] : memref<10000x128xf32, #tpu.memory_space<hbm>> -> memref<10000x128xf32, #tpu.memory_space<hbm>>
    tpu.enqueue_indirect_dma source(%dma_start3A_13 : memref<10000x128xf32, #tpu.memory_space<hbm>>) target(%dma_start3A_7 : memref<80x128xf32, #tpu.memory_space<vmem>>) offsets(%dma_start3A_10 : memref<80xi32, #tpu.memory_space<vmem>>) semaphore(%arg11 : memref<!tpu.dma_semaphore, #tpu.memory_space<semaphore_mem>>)
    %scan3A = arith.constant 0 : i32
    %scan3A_14 = arith.constant 0 : i32
    %scan3A_15 = arith.constant 62 : i32
    %scan3A_16 = arith.addi %scan3A_14, %scan3A_15 : i32
    %scan3A_17 = arith.constant 1 : i32
    scf.for %scan3A_41 = %scan3A_14 to %scan3A_16 step %scan3A_17  : i32 {
      %mul3A_42 = arith.constant 2 : i32
      %mul3A_43 = arith.muli %scan3A_41, %mul3A_42 : i32
      %add3A_44 = arith.constant 0 : i32
      %add3A_45 = arith.addi %mul3A_43, %add3A_44 : i32
      %add3A_46 = arith.constant 1 : i32
      %add3A_47 = arith.addi %add3A_45, %add3A_46 : i32
      %dma_start3A_48 = arith.constant 1 : i32
      %dma_start3A_49 = arith.constant 0 : i32
      %dma_start3A_50 = arith.constant 0 : i32
      %dma_start3A_51 = tpu.memref_slice %arg9[%dma_start3A_48, %dma_start3A_49, %dma_start3A_50] : memref<2x80x128xf32, #tpu.memory_space<vmem>> -> memref<1x80x128xf32, #tpu.memory_space<vmem>>
      %dma_start3A_52 = tpu.memref_squeeze %dma_start3A_51 : memref<1x80x128xf32, #tpu.memory_space<vmem>> -> memref<80x128xf32, #tpu.memory_space<vmem>>
      %dma_start3A_53 = arith.constant 0 : i32
      %dma_start3A_54 = tpu.memref_slice %arg7[%add3A_47, %dma_start3A_53] : memref<125x80xi32, #tpu.memory_space<vmem>> -> memref<1x80xi32, #tpu.memory_space<vmem>>
      %dma_start3A_55 = tpu.memref_squeeze %dma_start3A_54 : memref<1x80xi32, #tpu.memory_space<vmem>> -> memref<80xi32, #tpu.memory_space<vmem>>
      %dma_start3A_56 = arith.constant 0 : i32
      %dma_start3A_57 = arith.constant 0 : i32
      %dma_start3A_58 = tpu.memref_slice %arg2[%dma_start3A_56, %dma_start3A_57] : memref<10000x128xf32, #tpu.memory_space<hbm>> -> memref<10000x128xf32, #tpu.memory_space<hbm>>
      tpu.enqueue_indirect_dma source(%dma_start3A_58 : memref<10000x128xf32, #tpu.memory_space<hbm>>) target(%dma_start3A_52 : memref<80x128xf32, #tpu.memory_space<vmem>>) offsets(%dma_start3A_55 : memref<80xi32, #tpu.memory_space<vmem>>) semaphore(%arg12 : memref<!tpu.dma_semaphore, #tpu.memory_space<semaphore_mem>>)
      %dma_wait3A_59 = arith.constant 0 : i32
      %dma_wait3A_60 = arith.constant 0 : i32
      %dma_wait3A_61 = arith.constant 0 : i32
      %dma_wait3A_62 = tpu.memref_slice %arg9[%dma_wait3A_59, %dma_wait3A_60, %dma_wait3A_61] : memref<2x80x128xf32, #tpu.memory_space<vmem>> -> memref<1x80x128xf32, #tpu.memory_space<vmem>>
      %dma_wait3A_63 = tpu.memref_squeeze %dma_wait3A_62 : memref<1x80x128xf32, #tpu.memory_space<vmem>> -> memref<80x128xf32, #tpu.memory_space<vmem>>
      %dma_wait3A_64 = arith.constant 0 : i32
      %dma_wait3A_65 = tpu.memref_slice %arg7[%add3A_45, %dma_wait3A_64] : memref<125x80xi32, #tpu.memory_space<vmem>> -> memref<1x80xi32, #tpu.memory_space<vmem>>
      %dma_wait3A_66 = tpu.memref_squeeze %dma_wait3A_65 : memref<1x80xi32, #tpu.memory_space<vmem>> -> memref<80xi32, #tpu.memory_space<vmem>>
      %dma_wait3A_67 = arith.constant 0 : i32
      %dma_wait3A_68 = arith.constant 0 : i32
      %dma_wait3A_69 = tpu.memref_slice %arg2[%dma_wait3A_67, %dma_wait3A_68] : memref<10000x128xf32, #tpu.memory_space<hbm>> -> memref<10000x128xf32, #tpu.memory_space<hbm>>
      tpu.wait_indirect_dma semaphore(%arg11 : memref<!tpu.dma_semaphore, #tpu.memory_space<semaphore_mem>>) src(%dma_wait3A_69 : memref<10000x128xf32, #tpu.memory_space<hbm>>) dst(%dma_wait3A_63 : memref<80x128xf32, #tpu.memory_space<vmem>>)
      %run_scoped3A_70 = arith.constant 0 : i32
      "tpu.region"() ({
        %run_scoped3A_100 = tpu.sem_alloc : memref<!tpu.dma_semaphore, #tpu.memory_space<semaphore_mem>>
        %dma_start3A_101 = arith.constant 0 : i32
        %dma_start3A_102 = arith.constant 0 : i32
        %dma_start3A_103 = tpu.memref_slice %arg9[%run_scoped3A_70, %dma_start3A_101, %dma_start3A_102] : memref<2x80x128xf32, #tpu.memory_space<vmem>> -> memref<1x80x128xf32, #tpu.memory_space<vmem>>
        %dma_start3A_104 = tpu.memref_squeeze %dma_start3A_103 : memref<1x80x128xf32, #tpu.memory_space<vmem>> -> memref<80x128xf32, #tpu.memory_space<vmem>>
        %dma_start3A_105 = arith.constant 0 : i32
        %dma_start3A_106 = tpu.memref_slice %arg8[%add3A_45, %dma_start3A_105] : memref<125x80xi32, #tpu.memory_space<vmem>> -> memref<1x80xi32, #tpu.memory_space<vmem>>
        %dma_start3A_107 = tpu.memref_squeeze %dma_start3A_106 : memref<1x80xi32, #tpu.memory_space<vmem>> -> memref<80xi32, #tpu.memory_space<vmem>>
        %dma_start3A_108 = arith.constant 0 : i32
        %dma_start3A_109 = arith.constant 0 : i32
        %dma_start3A_110 = tpu.memref_slice %arg10[%dma_start3A_108, %dma_start3A_109] : memref<10000x128xf32, #tpu.memory_space<vmem_shared>> -> memref<10000x128xf32, #tpu.memory_space<vmem_shared>>
        tpu.enqueue_indirect_dma source(%dma_start3A_104 : memref<80x128xf32, #tpu.memory_space<vmem>>) target(%dma_start3A_110 : memref<10000x128xf32, #tpu.memory_space<vmem_shared>>) offsets(%dma_start3A_107 : memref<80xi32, #tpu.memory_space<vmem>>) semaphore(%run_scoped3A_100 : memref<!tpu.dma_semaphore, #tpu.memory_space<semaphore_mem>>) {add = true}
        %dma_wait3A_111 = arith.constant 0 : i32
        %dma_wait3A_112 = arith.constant 0 : i32
        %dma_wait3A_113 = tpu.memref_slice %arg9[%run_scoped3A_70, %dma_wait3A_111, %dma_wait3A_112] : memref<2x80x128xf32, #tpu.memory_space<vmem>> -> memref<1x80x128xf32, #tpu.memory_space<vmem>>
        %dma_wait3A_114 = tpu.memref_squeeze %dma_wait3A_113 : memref<1x80x128xf32, #tpu.memory_space<vmem>> -> memref<80x128xf32, #tpu.memory_space<vmem>>
        %dma_wait3A_115 = arith.constant 0 : i32
        %dma_wait3A_116 = tpu.memref_slice %arg8[%add3A_45, %dma_wait3A_115] : memref<125x80xi32, #tpu.memory_space<vmem>> -> memref<1x80xi32, #tpu.memory_space<vmem>>
        %dma_wait3A_117 = tpu.memref_squeeze %dma_wait3A_116 : memref<1x80xi32, #tpu.memory_space<vmem>> -> memref<80xi32, #tpu.memory_space<vmem>>
        %dma_wait3A_118 = arith.constant 0 : i32
        %dma_wait3A_119 = arith.constant 0 : i32
        %dma_wait3A_120 = tpu.memref_slice %arg10[%dma_wait3A_118, %dma_wait3A_119] : memref<10000x128xf32, #tpu.memory_space<vmem_shared>> -> memref<10000x128xf32, #tpu.memory_space<vmem_shared>>
        tpu.wait_indirect_dma semaphore(%run_scoped3A_100 : memref<!tpu.dma_semaphore, #tpu.memory_space<semaphore_mem>>) src(%dma_wait3A_114 : memref<80x128xf32, #tpu.memory_space<vmem>>) dst(%dma_wait3A_120 : memref<10000x128xf32, #tpu.memory_space<vmem_shared>>)
        tpu.yield
      }) : () -> ()
      %mul3A_71 = arith.constant 2 : i32
      %mul3A_72 = arith.muli %scan3A_41, %mul3A_71 : i32
      %add3A_73 = arith.constant 1 : i32
      %add3A_74 = arith.addi %mul3A_72, %add3A_73 : i32
      %add3A_75 = arith.constant 1 : i32
      %add3A_76 = arith.addi %add3A_74, %add3A_75 : i32
      %dma_start3A_77 = arith.constant 0 : i32
      %dma_start3A_78 = arith.constant 0 : i32
      %dma_start3A_79 = arith.constant 0 : i32
      %dma_start3A_80 = tpu.memref_slice %arg9[%dma_start3A_77, %dma_start3A_78, %dma_start3A_79] : memref<2x80x128xf32, #tpu.memory_space<vmem>> -> memref<1x80x128xf32, #tpu.memory_space<vmem>>
      %dma_start3A_81 = tpu.memref_squeeze %dma_start3A_80 : memref<1x80x128xf32, #tpu.memory_space<vmem>> -> memref<80x128xf32, #tpu.memory_space<vmem>>
      %dma_start3A_82 = arith.constant 0 : i32
      %dma_start3A_83 = tpu.memref_slice %arg7[%add3A_76, %dma_start3A_82] : memref<125x80xi32, #tpu.memory_space<vmem>> -> memref<1x80xi32, #tpu.memory_space<vmem>>
      %dma_start3A_84 = tpu.memref_squeeze %dma_start3A_83 : memref<1x80xi32, #tpu.memory_space<vmem>> -> memref<80xi32, #tpu.memory_space<vmem>>
      %dma_start3A_85 = arith.constant 0 : i32
      %dma_start3A_86 = arith.constant 0 : i32
      %dma_start3A_87 = tpu.memref_slice %arg2[%dma_start3A_85, %dma_start3A_86] : memref<10000x128xf32, #tpu.memory_space<hbm>> -> memref<10000x128xf32, #tpu.memory_space<hbm>>
      tpu.enqueue_indirect_dma source(%dma_start3A_87 : memref<10000x128xf32, #tpu.memory_space<hbm>>) target(%dma_start3A_81 : memref<80x128xf32, #tpu.memory_space<vmem>>) offsets(%dma_start3A_84 : memref<80xi32, #tpu.memory_space<vmem>>) semaphore(%arg11 : memref<!tpu.dma_semaphore, #tpu.memory_space<semaphore_mem>>)
      %dma_wait3A_88 = arith.constant 1 : i32
      %dma_wait3A_89 = arith.constant 0 : i32
      %dma_wait3A_90 = arith.constant 0 : i32
      %dma_wait3A_91 = tpu.memref_slice %arg9[%dma_wait3A_88, %dma_wait3A_89, %dma_wait3A_90] : memref<2x80x128xf32, #tpu.memory_space<vmem>> -> memref<1x80x128xf32, #tpu.memory_space<vmem>>
      %dma_wait3A_92 = tpu.memref_squeeze %dma_wait3A_91 : memref<1x80x128xf32, #tpu.memory_space<vmem>> -> memref<80x128xf32, #tpu.memory_space<vmem>>
      %dma_wait3A_93 = arith.constant 0 : i32
      %dma_wait3A_94 = tpu.memref_slice %arg7[%add3A_74, %dma_wait3A_93] : memref<125x80xi32, #tpu.memory_space<vmem>> -> memref<1x80xi32, #tpu.memory_space<vmem>>
      %dma_wait3A_95 = tpu.memref_squeeze %dma_wait3A_94 : memref<1x80xi32, #tpu.memory_space<vmem>> -> memref<80xi32, #tpu.memory_space<vmem>>
      %dma_wait3A_96 = arith.constant 0 : i32
      %dma_wait3A_97 = arith.constant 0 : i32
      %dma_wait3A_98 = tpu.memref_slice %arg2[%dma_wait3A_96, %dma_wait3A_97] : memref<10000x128xf32, #tpu.memory_space<hbm>> -> memref<10000x128xf32, #tpu.memory_space<hbm>>
      tpu.wait_indirect_dma semaphore(%arg12 : memref<!tpu.dma_semaphore, #tpu.memory_space<semaphore_mem>>) src(%dma_wait3A_98 : memref<10000x128xf32, #tpu.memory_space<hbm>>) dst(%dma_wait3A_92 : memref<80x128xf32, #tpu.memory_space<vmem>>)
      %run_scoped3A_99 = arith.constant 1 : i32
      "tpu.region"() ({
        %run_scoped3A_100 = tpu.sem_alloc : memref<!tpu.dma_semaphore, #tpu.memory_space<semaphore_mem>>
        %dma_start3A_101 = arith.constant 0 : i32
        %dma_start3A_102 = arith.constant 0 : i32
        %dma_start3A_103 = tpu.memref_slice %arg9[%run_scoped3A_99, %dma_start3A_101, %dma_start3A_102] : memref<2x80x128xf32, #tpu.memory_space<vmem>> -> memref<1x80x128xf32, #tpu.memory_space<vmem>>
        %dma_start3A_104 = tpu.memref_squeeze %dma_start3A_103 : memref<1x80x128xf32, #tpu.memory_space<vmem>> -> memref<80x128xf32, #tpu.memory_space<vmem>>
        %dma_start3A_105 = arith.constant 0 : i32
        %dma_start3A_106 = tpu.memref_slice %arg8[%add3A_74, %dma_start3A_105] : memref<125x80xi32, #tpu.memory_space<vmem>> -> memref<1x80xi32, #tpu.memory_space<vmem>>
        %dma_start3A_107 = tpu.memref_squeeze %dma_start3A_106 : memref<1x80xi32, #tpu.memory_space<vmem>> -> memref<80xi32, #tpu.memory_space<vmem>>
        %dma_start3A_108 = arith.constant 0 : i32
        %dma_start3A_109 = arith.constant 0 : i32
        %dma_start3A_110 = tpu.memref_slice %arg10[%dma_start3A_108, %dma_start3A_109] : memref<10000x128xf32, #tpu.memory_space<vmem_shared>> -> memref<10000x128xf32, #tpu.memory_space<vmem_shared>>
        tpu.enqueue_indirect_dma source(%dma_start3A_104 : memref<80x128xf32, #tpu.memory_space<vmem>>) target(%dma_start3A_110 : memref<10000x128xf32, #tpu.memory_space<vmem_shared>>) offsets(%dma_start3A_107 : memref<80xi32, #tpu.memory_space<vmem>>) semaphore(%run_scoped3A_100 : memref<!tpu.dma_semaphore, #tpu.memory_space<semaphore_mem>>) {add = true}
        %dma_wait3A_111 = arith.constant 0 : i32
        %dma_wait3A_112 = arith.constant 0 : i32
        %dma_wait3A_113 = tpu.memref_slice %arg9[%run_scoped3A_99, %dma_wait3A_111, %dma_wait3A_112] : memref<2x80x128xf32, #tpu.memory_space<vmem>> -> memref<1x80x128xf32, #tpu.memory_space<vmem>>
        %dma_wait3A_114 = tpu.memref_squeeze %dma_wait3A_113 : memref<1x80x128xf32, #tpu.memory_space<vmem>> -> memref<80x128xf32, #tpu.memory_space<vmem>>
        %dma_wait3A_115 = arith.constant 0 : i32
        %dma_wait3A_116 = tpu.memref_slice %arg8[%add3A_74, %dma_wait3A_115] : memref<125x80xi32, #tpu.memory_space<vmem>> -> memref<1x80xi32, #tpu.memory_space<vmem>>
        %dma_wait3A_117 = tpu.memref_squeeze %dma_wait3A_116 : memref<1x80xi32, #tpu.memory_space<vmem>> -> memref<80xi32, #tpu.memory_space<vmem>>
        %dma_wait3A_118 = arith.constant 0 : i32
        %dma_wait3A_119 = arith.constant 0 : i32
        %dma_wait3A_120 = tpu.memref_slice %arg10[%dma_wait3A_118, %dma_wait3A_119] : memref<10000x128xf32, #tpu.memory_space<vmem_shared>> -> memref<10000x128xf32, #tpu.memory_space<vmem_shared>>
        tpu.wait_indirect_dma semaphore(%run_scoped3A_100 : memref<!tpu.dma_semaphore, #tpu.memory_space<semaphore_mem>>) src(%dma_wait3A_114 : memref<80x128xf32, #tpu.memory_space<vmem>>) dst(%dma_wait3A_120 : memref<10000x128xf32, #tpu.memory_space<vmem_shared>>)
        tpu.yield
      }) : () -> ()
    }
    %scan3A_18 = arith.constant 62 : i32
    %dma_wait3A = arith.constant 124 : i32
    %dma_wait3A_19 = arith.constant 0 : i32
    %dma_wait3A_20 = arith.constant 0 : i32
    %dma_wait3A_21 = arith.constant 0 : i32
    %dma_wait3A_22 = tpu.memref_slice %arg9[%dma_wait3A_19, %dma_wait3A_20, %dma_wait3A_21] : memref<2x80x128xf32, #tpu.memory_space<vmem>> -> memref<1x80x128xf32, #tpu.memory_space<vmem>>
    %dma_wait3A_23 = tpu.memref_squeeze %dma_wait3A_22 : memref<1x80x128xf32, #tpu.memory_space<vmem>> -> memref<80x128xf32, #tpu.memory_space<vmem>>
    %dma_wait3A_24 = arith.constant 0 : i32
    %dma_wait3A_25 = tpu.memref_slice %arg7[%dma_wait3A, %dma_wait3A_24] : memref<125x80xi32, #tpu.memory_space<vmem>> -> memref<1x80xi32, #tpu.memory_space<vmem>>
    %dma_wait3A_26 = tpu.memref_squeeze %dma_wait3A_25 : memref<1x80xi32, #tpu.memory_space<vmem>> -> memref<80xi32, #tpu.memory_space<vmem>>
    %dma_wait3A_27 = arith.constant 0 : i32
    %dma_wait3A_28 = arith.constant 0 : i32
    %dma_wait3A_29 = tpu.memref_slice %arg2[%dma_wait3A_27, %dma_wait3A_28] : memref<10000x128xf32, #tpu.memory_space<hbm>> -> memref<10000x128xf32, #tpu.memory_space<hbm>>
    tpu.wait_indirect_dma semaphore(%arg11 : memref<!tpu.dma_semaphore, #tpu.memory_space<semaphore_mem>>) src(%dma_wait3A_29 : memref<10000x128xf32, #tpu.memory_space<hbm>>) dst(%dma_wait3A_23 : memref<80x128xf32, #tpu.memory_space<vmem>>)
    %run_scoped3A = arith.constant 0 : i32
    %run_scoped3A_30 = arith.constant 124 : i32
    "tpu.region"() ({
      %run_scoped3A_41 = tpu.sem_alloc : memref<!tpu.dma_semaphore, #tpu.memory_space<semaphore_mem>>
      %dma_start3A_42 = arith.constant 0 : i32
      %dma_start3A_43 = arith.constant 0 : i32
      %dma_start3A_44 = tpu.memref_slice %arg9[%run_scoped3A, %dma_start3A_42, %dma_start3A_43] : memref<2x80x128xf32, #tpu.memory_space<vmem>> -> memref<1x80x128xf32, #tpu.memory_space<vmem>>
      %dma_start3A_45 = tpu.memref_squeeze %dma_start3A_44 : memref<1x80x128xf32, #tpu.memory_space<vmem>> -> memref<80x128xf32, #tpu.memory_space<vmem>>
      %dma_start3A_46 = arith.constant 0 : i32
      %dma_start3A_47 = tpu.memref_slice %arg8[%run_scoped3A_30, %dma_start3A_46] : memref<125x80xi32, #tpu.memory_space<vmem>> -> memref<1x80xi32, #tpu.memory_space<vmem>>
      %dma_start3A_48 = tpu.memref_squeeze %dma_start3A_47 : memref<1x80xi32, #tpu.memory_space<vmem>> -> memref<80xi32, #tpu.memory_space<vmem>>
      %dma_start3A_49 = arith.constant 0 : i32
      %dma_start3A_50 = arith.constant 0 : i32
      %dma_start3A_51 = tpu.memref_slice %arg10[%dma_start3A_49, %dma_start3A_50] : memref<10000x128xf32, #tpu.memory_space<vmem_shared>> -> memref<10000x128xf32, #tpu.memory_space<vmem_shared>>
      tpu.enqueue_indirect_dma source(%dma_start3A_45 : memref<80x128xf32, #tpu.memory_space<vmem>>) target(%dma_start3A_51 : memref<10000x128xf32, #tpu.memory_space<vmem_shared>>) offsets(%dma_start3A_48 : memref<80xi32, #tpu.memory_space<vmem>>) semaphore(%run_scoped3A_41 : memref<!tpu.dma_semaphore, #tpu.memory_space<semaphore_mem>>) {add = true}
      %dma_wait3A_52 = arith.constant 0 : i32
      %dma_wait3A_53 = arith.constant 0 : i32
      %dma_wait3A_54 = tpu.memref_slice %arg9[%run_scoped3A, %dma_wait3A_52, %dma_wait3A_53] : memref<2x80x128xf32, #tpu.memory_space<vmem>> -> memref<1x80x128xf32, #tpu.memory_space<vmem>>
      %dma_wait3A_55 = tpu.memref_squeeze %dma_wait3A_54 : memref<1x80x128xf32, #tpu.memory_space<vmem>> -> memref<80x128xf32, #tpu.memory_space<vmem>>
      %dma_wait3A_56 = arith.constant 0 : i32
      %dma_wait3A_57 = tpu.memref_slice %arg8[%run_scoped3A_30, %dma_wait3A_56] : memref<125x80xi32, #tpu.memory_space<vmem>> -> memref<1x80xi32, #tpu.memory_space<vmem>>
      %dma_wait3A_58 = tpu.memref_squeeze %dma_wait3A_57 : memref<1x80xi32, #tpu.memory_space<vmem>> -> memref<80xi32, #tpu.memory_space<vmem>>
      %dma_wait3A_59 = arith.constant 0 : i32
      %dma_wait3A_60 = arith.constant 0 : i32
      %dma_wait3A_61 = tpu.memref_slice %arg10[%dma_wait3A_59, %dma_wait3A_60] : memref<10000x128xf32, #tpu.memory_space<vmem_shared>> -> memref<10000x128xf32, #tpu.memory_space<vmem_shared>>
      tpu.wait_indirect_dma semaphore(%run_scoped3A_41 : memref<!tpu.dma_semaphore, #tpu.memory_space<semaphore_mem>>) src(%dma_wait3A_55 : memref<80x128xf32, #tpu.memory_space<vmem>>) dst(%dma_wait3A_61 : memref<10000x128xf32, #tpu.memory_space<vmem_shared>>)
      tpu.yield
    }) : () -> ()
    %barrier3A_31 = arith.constant 0 : index
    tpu.barrier barrier_id(%barrier3A_31)
    %mul3A_32 = arith.constant 624 : i32
    %mul3A_33 = arith.muli %arg1, %mul3A_32 : i32
    %mul3A_34 = arith.constant 624 : i32
    %mul3A_35 = arith.muli %arg1, %mul3A_34 : i32
    "tpu.region"() ({
      %run_scoped3A_41 = tpu.sem_alloc : memref<!tpu.dma_semaphore, #tpu.memory_space<semaphore_mem>>
      %dma_start3A_42 = arith.constant 0 : i32
      %dma_start3A_43 = arith.constant 0 : i32
      %dma_start3A_44 = tpu.memref_slice %arg6[%arg0, %dma_start3A_42, %dma_start3A_43] : memref<2x10000x128xf32, #tpu.memory_space<hbm>> -> memref<1x10000x128xf32, #tpu.memory_space<hbm>>
      %dma_start3A_45 = tpu.memref_squeeze %dma_start3A_44 : memref<1x10000x128xf32, #tpu.memory_space<hbm>> -> memref<10000x128xf32, #tpu.memory_space<hbm>>
      %dma_start3A_46 = arith.constant 0 : i32
      %dma_start3A_47 = tpu.memref_slice %dma_start3A_45[%mul3A_35, %dma_start3A_46] : memref<10000x128xf32, #tpu.memory_space<hbm>> -> memref<624x128xf32, #tpu.memory_space<hbm>>
      %dma_start3A_48 = arith.constant 0 : i32
      %dma_start3A_49 = tpu.memref_slice %arg10[%mul3A_33, %dma_start3A_48] : memref<10000x128xf32, #tpu.memory_space<vmem_shared>> -> memref<624x128xf32, #tpu.memory_space<vmem_shared>>
      tpu.enqueue_dma source(%dma_start3A_49 : memref<624x128xf32, #tpu.memory_space<vmem_shared>>) target(%dma_start3A_47 : memref<624x128xf32, #tpu.memory_space<hbm>>) target_semaphore(%run_scoped3A_41 : memref<!tpu.dma_semaphore, #tpu.memory_space<semaphore_mem>>)
      %dma_wait3A_50 = arith.constant 0 : i32
      %dma_wait3A_51 = arith.constant 0 : i32
      %dma_wait3A_52 = tpu.memref_slice %arg6[%arg0, %dma_wait3A_50, %dma_wait3A_51] : memref<2x10000x128xf32, #tpu.memory_space<hbm>> -> memref<1x10000x128xf32, #tpu.memory_space<hbm>>
      %dma_wait3A_53 = tpu.memref_squeeze %dma_wait3A_52 : memref<1x10000x128xf32, #tpu.memory_space<hbm>> -> memref<10000x128xf32, #tpu.memory_space<hbm>>
      %dma_wait3A_54 = arith.constant 0 : i32
      %dma_wait3A_55 = tpu.memref_slice %dma_wait3A_53[%mul3A_35, %dma_wait3A_54] : memref<10000x128xf32, #tpu.memory_space<hbm>> -> memref<624x128xf32, #tpu.memory_space<hbm>>
      %dma_wait3A_56 = arith.constant 0 : i32
      %dma_wait3A_57 = tpu.memref_slice %arg10[%mul3A_33, %dma_wait3A_56] : memref<10000x128xf32, #tpu.memory_space<vmem_shared>> -> memref<624x128xf32, #tpu.memory_space<vmem_shared>>
      tpu.wait_dma2 semaphore(%run_scoped3A_41 : memref<!tpu.dma_semaphore, #tpu.memory_space<semaphore_mem>>) src(%dma_wait3A_57 : memref<624x128xf32, #tpu.memory_space<vmem_shared>>) dst(%dma_wait3A_55 : memref<624x128xf32, #tpu.memory_space<hbm>>)
      tpu.yield
    }) : () -> ()
    %eq3A_36 = arith.constant 15 : i32
    %eq3A_37 = arith.cmpi eq, %arg1, %eq3A_36 : i32
    %convert_element_type3A_38 = arith.extui %eq3A_37 : i1 to i32
    %cond3A_39 = arith.constant 0 : i32
    %cond3A_40 = arith.cmpi ne, %convert_element_type3A_38, %cond3A_39 : i32
    scf.if %cond3A_40 {
      "tpu.region"() ({
        %run_scoped3A_41 = tpu.sem_alloc : memref<!tpu.dma_semaphore, #tpu.memory_space<semaphore_mem>>
        %dma_start3A_42 = arith.constant 0 : i32
        %dma_start3A_43 = arith.constant 0 : i32
        %dma_start3A_44 = tpu.memref_slice %arg6[%arg0, %dma_start3A_42, %dma_start3A_43] : memref<2x10000x128xf32, #tpu.memory_space<hbm>> -> memref<1x10000x128xf32, #tpu.memory_space<hbm>>
        %dma_start3A_45 = tpu.memref_squeeze %dma_start3A_44 : memref<1x10000x128xf32, #tpu.memory_space<hbm>> -> memref<10000x128xf32, #tpu.memory_space<hbm>>
        %dma_start3A_46 = arith.constant 9984 : i32
        %dma_start3A_47 = arith.constant 0 : i32
        %dma_start3A_48 = tpu.memref_slice %dma_start3A_45[%dma_start3A_46, %dma_start3A_47] : memref<10000x128xf32, #tpu.memory_space<hbm>> -> memref<16x128xf32, #tpu.memory_space<hbm>>
        %dma_start3A_49 = arith.constant 9984 : i32
        %dma_start3A_50 = arith.constant 0 : i32
        %dma_start3A_51 = tpu.memref_slice %arg10[%dma_start3A_49, %dma_start3A_50] : memref<10000x128xf32, #tpu.memory_space<vmem_shared>> -> memref<16x128xf32, #tpu.memory_space<vmem_shared>>
        tpu.enqueue_dma source(%dma_start3A_51 : memref<16x128xf32, #tpu.memory_space<vmem_shared>>) target(%dma_start3A_48 : memref<16x128xf32, #tpu.memory_space<hbm>>) target_semaphore(%run_scoped3A_41 : memref<!tpu.dma_semaphore, #tpu.memory_space<semaphore_mem>>)
        %dma_wait3A_52 = arith.constant 0 : i32
        %dma_wait3A_53 = arith.constant 0 : i32
        %dma_wait3A_54 = tpu.memref_slice %arg6[%arg0, %dma_wait3A_52, %dma_wait3A_53] : memref<2x10000x128xf32, #tpu.memory_space<hbm>> -> memref<1x10000x128xf32, #tpu.memory_space<hbm>>
        %dma_wait3A_55 = tpu.memref_squeeze %dma_wait3A_54 : memref<1x10000x128xf32, #tpu.memory_space<hbm>> -> memref<10000x128xf32, #tpu.memory_space<hbm>>
        %dma_wait3A_56 = arith.constant 9984 : i32
        %dma_wait3A_57 = arith.constant 0 : i32
        %dma_wait3A_58 = tpu.memref_slice %dma_wait3A_55[%dma_wait3A_56, %dma_wait3A_57] : memref<10000x128xf32, #tpu.memory_space<hbm>> -> memref<16x128xf32, #tpu.memory_space<hbm>>
        %dma_wait3A_59 = arith.constant 9984 : i32
        %dma_wait3A_60 = arith.constant 0 : i32
        %dma_wait3A_61 = tpu.memref_slice %arg10[%dma_wait3A_59, %dma_wait3A_60] : memref<10000x128xf32, #tpu.memory_space<vmem_shared>> -> memref<16x128xf32, #tpu.memory_space<vmem_shared>>
        tpu.wait_dma2 semaphore(%run_scoped3A_41 : memref<!tpu.dma_semaphore, #tpu.memory_space<semaphore_mem>>) src(%dma_wait3A_61 : memref<16x128xf32, #tpu.memory_space<vmem_shared>>) dst(%dma_wait3A_58 : memref<16x128xf32, #tpu.memory_space<hbm>>)
        tpu.yield
      }) : () -> ()
    } else {
    }
    return
  }
}

#map = affine_map<(d0, d1) -> (0, 0, 0)>
#map1 = affine_map<(d0, d1) -> (0, 0)>
module attributes {stable_mosaic.version = 14 : i64} {
  func.func @body(%arg0: i32, %arg1: i32, %arg2: memref<32x125x80xi32, #tpu.memory_space<hbm>>, %arg3: memref<10000x16xf32, #tpu.memory_space<hbm>>, %arg4: memref<80x16xf32, #tpu.memory_space<hbm>>, %arg5: memref<2x10000x16xf32, #tpu.memory_space<hbm>>, %arg6: memref<125x80xi32, #tpu.memory_space<vmem>>, %arg7: memref<80x16xf32, #tpu.memory_space<vmem>>, %arg8: memref<10000x16xf32, #tpu.memory_space<vmem_shared>>) attributes {dimension_semantics = [#tpu.dimension_semantics<core_parallel>, #tpu.dimension_semantics<subcore_parallel>], iteration_bounds = array<i64: 2, 16>, scalar_prefetch = 0 : i64, scratch_operands = 3 : i64, tpu.core_type = #tpu.core_type<sc_vector_subcore>, window_params = [{transform_indices = #map}, {transform_indices = #map1}, {transform_indices = #map1}, {transform_indices = #map}]} {
    %mul3A = arith.constant 16 : i32
    %mul3A_0 = arith.muli %arg0, %mul3A : i32
    %add3A = arith.addi %mul3A_0, %arg1 : i32
    %eq3A = arith.constant 0 : i32
    %eq3A_1 = arith.cmpi eq, %arg1, %eq3A : i32
    %convert_element_type3A = arith.extui %eq3A_1 : i1 to i32
    %cond3A = arith.constant 0 : i32
    %cond3A_2 = arith.cmpi ne, %convert_element_type3A, %cond3A : i32
    scf.if %cond3A_2 {
      "tpu.region"() ({
        %run_scoped3A = tpu.sem_alloc : memref<!tpu.dma_semaphore, #tpu.memory_space<semaphore_mem>>
        tpu.enqueue_dma source(%arg3 : memref<10000x16xf32, #tpu.memory_space<hbm>>) target(%arg8 : memref<10000x16xf32, #tpu.memory_space<vmem_shared>>) target_semaphore(%run_scoped3A : memref<!tpu.dma_semaphore, #tpu.memory_space<semaphore_mem>>)
        tpu.wait_dma2 semaphore(%run_scoped3A : memref<!tpu.dma_semaphore, #tpu.memory_space<semaphore_mem>>) src(%arg3 : memref<10000x16xf32, #tpu.memory_space<hbm>>) dst(%arg8 : memref<10000x16xf32, #tpu.memory_space<vmem_shared>>)
        tpu.yield
      }) : () -> ()
    } else {
    }
    "tpu.region"() ({
      %run_scoped3A = tpu.sem_alloc : memref<!tpu.dma_semaphore, #tpu.memory_space<semaphore_mem>>
      tpu.enqueue_dma source(%arg4 : memref<80x16xf32, #tpu.memory_space<hbm>>) target(%arg7 : memref<80x16xf32, #tpu.memory_space<vmem>>) target_semaphore(%run_scoped3A : memref<!tpu.dma_semaphore, #tpu.memory_space<semaphore_mem>>)
      tpu.wait_dma2 semaphore(%run_scoped3A : memref<!tpu.dma_semaphore, #tpu.memory_space<semaphore_mem>>) src(%arg4 : memref<80x16xf32, #tpu.memory_space<hbm>>) dst(%arg7 : memref<80x16xf32, #tpu.memory_space<vmem>>)
      tpu.yield
    }) : () -> ()
    "tpu.region"() ({
      %run_scoped3A = tpu.sem_alloc : memref<!tpu.dma_semaphore, #tpu.memory_space<semaphore_mem>>
      %dma_start3A = arith.constant 0 : i32
      %dma_start3A_18 = arith.constant 0 : i32
      %dma_start3A_19 = tpu.memref_slice %arg2[%add3A, %dma_start3A, %dma_start3A_18] : memref<32x125x80xi32, #tpu.memory_space<hbm>> -> memref<1x125x80xi32, #tpu.memory_space<hbm>>
      %dma_start3A_20 = tpu.memref_squeeze %dma_start3A_19 : memref<1x125x80xi32, #tpu.memory_space<hbm>> -> memref<125x80xi32, #tpu.memory_space<hbm>>
      %dma_start3A_21 = arith.constant 0 : i32
      %dma_start3A_22 = arith.constant 0 : i32
      %dma_start3A_23 = tpu.memref_slice %arg2[%add3A, %dma_start3A_21, %dma_start3A_22] : memref<32x125x80xi32, #tpu.memory_space<hbm>> -> memref<1x125x80xi32, #tpu.memory_space<hbm>>
      %dma_start3A_24 = tpu.memref_squeeze %dma_start3A_23 : memref<1x125x80xi32, #tpu.memory_space<hbm>> -> memref<125x80xi32, #tpu.memory_space<hbm>>
      tpu.enqueue_dma source(%dma_start3A_24 : memref<125x80xi32, #tpu.memory_space<hbm>>) target(%arg6 : memref<125x80xi32, #tpu.memory_space<vmem>>) target_semaphore(%run_scoped3A : memref<!tpu.dma_semaphore, #tpu.memory_space<semaphore_mem>>)
      %dma_wait3A = arith.constant 0 : i32
      %dma_wait3A_25 = arith.constant 0 : i32
      %dma_wait3A_26 = tpu.memref_slice %arg2[%add3A, %dma_wait3A, %dma_wait3A_25] : memref<32x125x80xi32, #tpu.memory_space<hbm>> -> memref<1x125x80xi32, #tpu.memory_space<hbm>>
      %dma_wait3A_27 = tpu.memref_squeeze %dma_wait3A_26 : memref<1x125x80xi32, #tpu.memory_space<hbm>> -> memref<125x80xi32, #tpu.memory_space<hbm>>
      %dma_wait3A_28 = arith.constant 0 : i32
      %dma_wait3A_29 = arith.constant 0 : i32
      %dma_wait3A_30 = tpu.memref_slice %arg2[%add3A, %dma_wait3A_28, %dma_wait3A_29] : memref<32x125x80xi32, #tpu.memory_space<hbm>> -> memref<1x125x80xi32, #tpu.memory_space<hbm>>
      %dma_wait3A_31 = tpu.memref_squeeze %dma_wait3A_30 : memref<1x125x80xi32, #tpu.memory_space<hbm>> -> memref<125x80xi32, #tpu.memory_space<hbm>>
      tpu.wait_dma2 semaphore(%run_scoped3A : memref<!tpu.dma_semaphore, #tpu.memory_space<semaphore_mem>>) src(%dma_wait3A_31 : memref<125x80xi32, #tpu.memory_space<hbm>>) dst(%arg6 : memref<125x80xi32, #tpu.memory_space<vmem>>)
      tpu.yield
    }) : () -> ()
    %barrier3A = arith.constant 0 : index
    tpu.barrier barrier_id(%barrier3A)
    %scan3A = arith.constant 0 : i32
    %scan3A_3 = arith.constant 0 : i32
    %scan3A_4 = arith.constant 125 : i32
    %scan3A_5 = arith.addi %scan3A_3, %scan3A_4 : i32
    %scan3A_6 = arith.constant 1 : i32
    scf.for %scan3A_18 = %scan3A_3 to %scan3A_5 step %scan3A_6  : i32 {
      "tpu.region"() ({
        %run_scoped3A = tpu.sem_alloc : memref<!tpu.dma_semaphore, #tpu.memory_space<semaphore_mem>>
        %dma_start3A = arith.constant 0 : i32
        %dma_start3A_19 = tpu.memref_slice %arg6[%scan3A_18, %dma_start3A] : memref<125x80xi32, #tpu.memory_space<vmem>> -> memref<1x80xi32, #tpu.memory_space<vmem>>
        %dma_start3A_20 = tpu.memref_squeeze %dma_start3A_19 : memref<1x80xi32, #tpu.memory_space<vmem>> -> memref<80xi32, #tpu.memory_space<vmem>>
        %dma_start3A_21 = arith.constant 0 : i32
        %dma_start3A_22 = arith.constant 0 : i32
        %dma_start3A_23 = tpu.memref_slice %arg8[%dma_start3A_21, %dma_start3A_22] : memref<10000x16xf32, #tpu.memory_space<vmem_shared>> -> memref<10000x16xf32, #tpu.memory_space<vmem_shared>>
        tpu.enqueue_indirect_dma source(%arg7 : memref<80x16xf32, #tpu.memory_space<vmem>>) target(%dma_start3A_23 : memref<10000x16xf32, #tpu.memory_space<vmem_shared>>) offsets(%dma_start3A_20 : memref<80xi32, #tpu.memory_space<vmem>>) semaphore(%run_scoped3A : memref<!tpu.dma_semaphore, #tpu.memory_space<semaphore_mem>>) {add = true}
        %dma_wait3A = arith.constant 0 : i32
        %dma_wait3A_24 = tpu.memref_slice %arg6[%scan3A_18, %dma_wait3A] : memref<125x80xi32, #tpu.memory_space<vmem>> -> memref<1x80xi32, #tpu.memory_space<vmem>>
        %dma_wait3A_25 = tpu.memref_squeeze %dma_wait3A_24 : memref<1x80xi32, #tpu.memory_space<vmem>> -> memref<80xi32, #tpu.memory_space<vmem>>
        %dma_wait3A_26 = arith.constant 0 : i32
        %dma_wait3A_27 = arith.constant 0 : i32
        %dma_wait3A_28 = tpu.memref_slice %arg8[%dma_wait3A_26, %dma_wait3A_27] : memref<10000x16xf32, #tpu.memory_space<vmem_shared>> -> memref<10000x16xf32, #tpu.memory_space<vmem_shared>>
        tpu.wait_indirect_dma semaphore(%run_scoped3A : memref<!tpu.dma_semaphore, #tpu.memory_space<semaphore_mem>>) src(%arg7 : memref<80x16xf32, #tpu.memory_space<vmem>>) dst(%dma_wait3A_28 : memref<10000x16xf32, #tpu.memory_space<vmem_shared>>)
        tpu.yield
      }) : () -> ()
    }
    %scan3A_7 = arith.constant 125 : i32
    %barrier3A_8 = arith.constant 0 : index
    tpu.barrier barrier_id(%barrier3A_8)
    %mul3A_9 = arith.constant 624 : i32
    %mul3A_10 = arith.muli %arg1, %mul3A_9 : i32
    %mul3A_11 = arith.constant 624 : i32
    %mul3A_12 = arith.muli %arg1, %mul3A_11 : i32
    "tpu.region"() ({
      %run_scoped3A = tpu.sem_alloc : memref<!tpu.dma_semaphore, #tpu.memory_space<semaphore_mem>>
      %dma_start3A = arith.constant 0 : i32
      %dma_start3A_18 = arith.constant 0 : i32
      %dma_start3A_19 = tpu.memref_slice %arg5[%arg0, %dma_start3A, %dma_start3A_18] : memref<2x10000x16xf32, #tpu.memory_space<hbm>> -> memref<1x10000x16xf32, #tpu.memory_space<hbm>>
      %dma_start3A_20 = tpu.memref_squeeze %dma_start3A_19 : memref<1x10000x16xf32, #tpu.memory_space<hbm>> -> memref<10000x16xf32, #tpu.memory_space<hbm>>
      %dma_start3A_21 = arith.constant 0 : i32
      %dma_start3A_22 = tpu.memref_slice %dma_start3A_20[%mul3A_12, %dma_start3A_21] : memref<10000x16xf32, #tpu.memory_space<hbm>> -> memref<624x16xf32, #tpu.memory_space<hbm>>
      %dma_start3A_23 = arith.constant 0 : i32
      %dma_start3A_24 = tpu.memref_slice %arg8[%mul3A_10, %dma_start3A_23] : memref<10000x16xf32, #tpu.memory_space<vmem_shared>> -> memref<624x16xf32, #tpu.memory_space<vmem_shared>>
      tpu.enqueue_dma source(%dma_start3A_24 : memref<624x16xf32, #tpu.memory_space<vmem_shared>>) target(%dma_start3A_22 : memref<624x16xf32, #tpu.memory_space<hbm>>) target_semaphore(%run_scoped3A : memref<!tpu.dma_semaphore, #tpu.memory_space<semaphore_mem>>)
      %dma_wait3A = arith.constant 0 : i32
      %dma_wait3A_25 = arith.constant 0 : i32
      %dma_wait3A_26 = tpu.memref_slice %arg5[%arg0, %dma_wait3A, %dma_wait3A_25] : memref<2x10000x16xf32, #tpu.memory_space<hbm>> -> memref<1x10000x16xf32, #tpu.memory_space<hbm>>
      %dma_wait3A_27 = tpu.memref_squeeze %dma_wait3A_26 : memref<1x10000x16xf32, #tpu.memory_space<hbm>> -> memref<10000x16xf32, #tpu.memory_space<hbm>>
      %dma_wait3A_28 = arith.constant 0 : i32
      %dma_wait3A_29 = tpu.memref_slice %dma_wait3A_27[%mul3A_12, %dma_wait3A_28] : memref<10000x16xf32, #tpu.memory_space<hbm>> -> memref<624x16xf32, #tpu.memory_space<hbm>>
      %dma_wait3A_30 = arith.constant 0 : i32
      %dma_wait3A_31 = tpu.memref_slice %arg8[%mul3A_10, %dma_wait3A_30] : memref<10000x16xf32, #tpu.memory_space<vmem_shared>> -> memref<624x16xf32, #tpu.memory_space<vmem_shared>>
      tpu.wait_dma2 semaphore(%run_scoped3A : memref<!tpu.dma_semaphore, #tpu.memory_space<semaphore_mem>>) src(%dma_wait3A_31 : memref<624x16xf32, #tpu.memory_space<vmem_shared>>) dst(%dma_wait3A_29 : memref<624x16xf32, #tpu.memory_space<hbm>>)
      tpu.yield
    }) : () -> ()
    %eq3A_13 = arith.constant 15 : i32
    %eq3A_14 = arith.cmpi eq, %arg1, %eq3A_13 : i32
    %convert_element_type3A_15 = arith.extui %eq3A_14 : i1 to i32
    %cond3A_16 = arith.constant 0 : i32
    %cond3A_17 = arith.cmpi ne, %convert_element_type3A_15, %cond3A_16 : i32
    scf.if %cond3A_17 {
      "tpu.region"() ({
        %run_scoped3A = tpu.sem_alloc : memref<!tpu.dma_semaphore, #tpu.memory_space<semaphore_mem>>
        %dma_start3A = arith.constant 0 : i32
        %dma_start3A_18 = arith.constant 0 : i32
        %dma_start3A_19 = tpu.memref_slice %arg5[%arg0, %dma_start3A, %dma_start3A_18] : memref<2x10000x16xf32, #tpu.memory_space<hbm>> -> memref<1x10000x16xf32, #tpu.memory_space<hbm>>
        %dma_start3A_20 = tpu.memref_squeeze %dma_start3A_19 : memref<1x10000x16xf32, #tpu.memory_space<hbm>> -> memref<10000x16xf32, #tpu.memory_space<hbm>>
        %dma_start3A_21 = arith.constant 9984 : i32
        %dma_start3A_22 = arith.constant 0 : i32
        %dma_start3A_23 = tpu.memref_slice %dma_start3A_20[%dma_start3A_21, %dma_start3A_22] : memref<10000x16xf32, #tpu.memory_space<hbm>> -> memref<16x16xf32, #tpu.memory_space<hbm>>
        %dma_start3A_24 = arith.constant 9984 : i32
        %dma_start3A_25 = arith.constant 0 : i32
        %dma_start3A_26 = tpu.memref_slice %arg8[%dma_start3A_24, %dma_start3A_25] : memref<10000x16xf32, #tpu.memory_space<vmem_shared>> -> memref<16x16xf32, #tpu.memory_space<vmem_shared>>
        tpu.enqueue_dma source(%dma_start3A_26 : memref<16x16xf32, #tpu.memory_space<vmem_shared>>) target(%dma_start3A_23 : memref<16x16xf32, #tpu.memory_space<hbm>>) target_semaphore(%run_scoped3A : memref<!tpu.dma_semaphore, #tpu.memory_space<semaphore_mem>>)
        %dma_wait3A = arith.constant 0 : i32
        %dma_wait3A_27 = arith.constant 0 : i32
        %dma_wait3A_28 = tpu.memref_slice %arg5[%arg0, %dma_wait3A, %dma_wait3A_27] : memref<2x10000x16xf32, #tpu.memory_space<hbm>> -> memref<1x10000x16xf32, #tpu.memory_space<hbm>>
        %dma_wait3A_29 = tpu.memref_squeeze %dma_wait3A_28 : memref<1x10000x16xf32, #tpu.memory_space<hbm>> -> memref<10000x16xf32, #tpu.memory_space<hbm>>
        %dma_wait3A_30 = arith.constant 9984 : i32
        %dma_wait3A_31 = arith.constant 0 : i32
        %dma_wait3A_32 = tpu.memref_slice %dma_wait3A_29[%dma_wait3A_30, %dma_wait3A_31] : memref<10000x16xf32, #tpu.memory_space<hbm>> -> memref<16x16xf32, #tpu.memory_space<hbm>>
        %dma_wait3A_33 = arith.constant 9984 : i32
        %dma_wait3A_34 = arith.constant 0 : i32
        %dma_wait3A_35 = tpu.memref_slice %arg8[%dma_wait3A_33, %dma_wait3A_34] : memref<10000x16xf32, #tpu.memory_space<vmem_shared>> -> memref<16x16xf32, #tpu.memory_space<vmem_shared>>
        tpu.wait_dma2 semaphore(%run_scoped3A : memref<!tpu.dma_semaphore, #tpu.memory_space<semaphore_mem>>) src(%dma_wait3A_35 : memref<16x16xf32, #tpu.memory_space<vmem_shared>>) dst(%dma_wait3A_32 : memref<16x16xf32, #tpu.memory_space<hbm>>)
        tpu.yield
      }) : () -> ()
    } else {
    }
    return
  }
}

#map = affine_map<(d0, d1) -> (0, 0)>
#map1 = affine_map<(d0, d1) -> (0, 0, 0)>
module attributes {stable_mosaic.version = 14 : i64} {
  func.func @body(%arg0: i32, %arg1: i32, %arg2: memref<10000x128xf32, #tpu.memory_space<hbm>>, %arg3: memref<32x125x80xi32, #tpu.memory_space<hbm>>, %arg4: memref<32x125x80xi32, #tpu.memory_space<hbm>>, %arg5: memref<10000x128xf32, #tpu.memory_space<hbm>>, %arg6: memref<2x10000x128xf32, #tpu.memory_space<hbm>>, %arg7: memref<125x80xi32, #tpu.memory_space<vmem>>, %arg8: memref<125x80xi32, #tpu.memory_space<vmem>>, %arg9: memref<2x80x128xf32, #tpu.memory_space<vmem>>, %arg10: memref<10000x128xf32, #tpu.memory_space<vmem_shared>>, %arg11: memref<!tpu.dma_semaphore, #tpu.memory_space<semaphore_mem>>, %arg12: memref<!tpu.dma_semaphore, #tpu.memory_space<semaphore_mem>>) attributes {dimension_semantics = [#tpu.dimension_semantics<core_parallel>, #tpu.dimension_semantics<subcore_parallel>], iteration_bounds = array<i64: 2, 16>, scalar_prefetch = 0 : i64, scratch_operands = 6 : i64, tpu.core_type = #tpu.core_type<sc_vector_subcore>, window_params = [{transform_indices = #map}, {transform_indices = #map1}, {transform_indices = #map1}, {transform_indices = #map}, {transform_indices = #map1}]} {
    %mul3A = arith.constant 16 : i32
    %mul3A_0 = arith.muli %arg0, %mul3A : i32
    %add3A = arith.addi %mul3A_0, %arg1 : i32
    %eq3A = arith.constant 0 : i32
    %eq3A_1 = arith.cmpi eq, %arg1, %eq3A : i32
    %convert_element_type3A = arith.extui %eq3A_1 : i1 to i32
    %cond3A = arith.constant 0 : i32
    %cond3A_2 = arith.cmpi ne, %convert_element_type3A, %cond3A : i32
    scf.if %cond3A_2 {
      "tpu.region"() ({
        %run_scoped3A_41 = tpu.sem_alloc : memref<!tpu.dma_semaphore, #tpu.memory_space<semaphore_mem>>
        tpu.enqueue_dma source(%arg5 : memref<10000x128xf32, #tpu.memory_space<hbm>>) target(%arg10 : memref<10000x128xf32, #tpu.memory_space<vmem_shared>>) target_semaphore(%run_scoped3A_41 : memref<!tpu.dma_semaphore, #tpu.memory_space<semaphore_mem>>)
        tpu.wait_dma2 semaphore(%run_scoped3A_41 : memref<!tpu.dma_semaphore, #tpu.memory_space<semaphore_mem>>) src(%arg5 : memref<10000x128xf32, #tpu.memory_space<hbm>>) dst(%arg10 : memref<10000x128xf32, #tpu.memory_space<vmem_shared>>)
        tpu.yield
      }) : () -> ()
    } else {
    }
    "tpu.region"() ({
      %run_scoped3A_41 = tpu.sem_alloc : memref<!tpu.dma_semaphore, #tpu.memory_space<semaphore_mem>>
      %dma_start3A_42 = arith.constant 0 : i32
      %dma_start3A_43 = arith.constant 0 : i32
      %dma_start3A_44 = tpu.memref_slice %arg3[%add3A, %dma_start3A_42, %dma_start3A_43] : memref<32x125x80xi32, #tpu.memory_space<hbm>> -> memref<1x125x80xi32, #tpu.memory_space<hbm>>
      %dma_start3A_45 = tpu.memref_squeeze %dma_start3A_44 : memref<1x125x80xi32, #tpu.memory_space<hbm>> -> memref<125x80xi32, #tpu.memory_space<hbm>>
      %dma_start3A_46 = arith.constant 0 : i32
      %dma_start3A_47 = arith.constant 0 : i32
      %dma_start3A_48 = tpu.memref_slice %arg3[%add3A, %dma_start3A_46, %dma_start3A_47] : memref<32x125x80xi32, #tpu.memory_space<hbm>> -> memref<1x125x80xi32, #tpu.memory_space<hbm>>
      %dma_start3A_49 = tpu.memref_squeeze %dma_start3A_48 : memref<1x125x80xi32, #tpu.memory_space<hbm>> -> memref<125x80xi32, #tpu.memory_space<hbm>>
      tpu.enqueue_dma source(%dma_start3A_49 : memref<125x80xi32, #tpu.memory_space<hbm>>) target(%arg7 : memref<125x80xi32, #tpu.memory_space<vmem>>) target_semaphore(%run_scoped3A_41 : memref<!tpu.dma_semaphore, #tpu.memory_space<semaphore_mem>>)
      %dma_wait3A_50 = arith.constant 0 : i32
      %dma_wait3A_51 = arith.constant 0 : i32
      %dma_wait3A_52 = tpu.memref_slice %arg3[%add3A, %dma_wait3A_50, %dma_wait3A_51] : memref<32x125x80xi32, #tpu.memory_space<hbm>> -> memref<1x125x80xi32, #tpu.memory_space<hbm>>
      %dma_wait3A_53 = tpu.memref_squeeze %dma_wait3A_52 : memref<1x125x80xi32, #tpu.memory_space<hbm>> -> memref<125x80xi32, #tpu.memory_space<hbm>>
      %dma_wait3A_54 = arith.constant 0 : i32
      %dma_wait3A_55 = arith.constant 0 : i32
      %dma_wait3A_56 = tpu.memref_slice %arg3[%add3A, %dma_wait3A_54, %dma_wait3A_55] : memref<32x125x80xi32, #tpu.memory_space<hbm>> -> memref<1x125x80xi32, #tpu.memory_space<hbm>>
      %dma_wait3A_57 = tpu.memref_squeeze %dma_wait3A_56 : memref<1x125x80xi32, #tpu.memory_space<hbm>> -> memref<125x80xi32, #tpu.memory_space<hbm>>
      tpu.wait_dma2 semaphore(%run_scoped3A_41 : memref<!tpu.dma_semaphore, #tpu.memory_space<semaphore_mem>>) src(%dma_wait3A_57 : memref<125x80xi32, #tpu.memory_space<hbm>>) dst(%arg7 : memref<125x80xi32, #tpu.memory_space<vmem>>)
      tpu.yield
    }) : () -> ()
    "tpu.region"() ({
      %run_scoped3A_41 = tpu.sem_alloc : memref<!tpu.dma_semaphore, #tpu.memory_space<semaphore_mem>>
      %dma_start3A_42 = arith.constant 0 : i32
      %dma_start3A_43 = arith.constant 0 : i32
      %dma_start3A_44 = tpu.memref_slice %arg4[%add3A, %dma_start3A_42, %dma_start3A_43] : memref<32x125x80xi32, #tpu.memory_space<hbm>> -> memref<1x125x80xi32, #tpu.memory_space<hbm>>
      %dma_start3A_45 = tpu.memref_squeeze %dma_start3A_44 : memref<1x125x80xi32, #tpu.memory_space<hbm>> -> memref<125x80xi32, #tpu.memory_space<hbm>>
      %dma_start3A_46 = arith.constant 0 : i32
      %dma_start3A_47 = arith.constant 0 : i32
      %dma_start3A_48 = tpu.memref_slice %arg4[%add3A, %dma_start3A_46, %dma_start3A_47] : memref<32x125x80xi32, #tpu.memory_space<hbm>> -> memref<1x125x80xi32, #tpu.memory_space<hbm>>
      %dma_start3A_49 = tpu.memref_squeeze %dma_start3A_48 : memref<1x125x80xi32, #tpu.memory_space<hbm>> -> memref<125x80xi32, #tpu.memory_space<hbm>>
      tpu.enqueue_dma source(%dma_start3A_49 : memref<125x80xi32, #tpu.memory_space<hbm>>) target(%arg8 : memref<125x80xi32, #tpu.memory_space<vmem>>) target_semaphore(%run_scoped3A_41 : memref<!tpu.dma_semaphore, #tpu.memory_space<semaphore_mem>>)
      %dma_wait3A_50 = arith.constant 0 : i32
      %dma_wait3A_51 = arith.constant 0 : i32
      %dma_wait3A_52 = tpu.memref_slice %arg4[%add3A, %dma_wait3A_50, %dma_wait3A_51] : memref<32x125x80xi32, #tpu.memory_space<hbm>> -> memref<1x125x80xi32, #tpu.memory_space<hbm>>
      %dma_wait3A_53 = tpu.memref_squeeze %dma_wait3A_52 : memref<1x125x80xi32, #tpu.memory_space<hbm>> -> memref<125x80xi32, #tpu.memory_space<hbm>>
      %dma_wait3A_54 = arith.constant 0 : i32
      %dma_wait3A_55 = arith.constant 0 : i32
      %dma_wait3A_56 = tpu.memref_slice %arg4[%add3A, %dma_wait3A_54, %dma_wait3A_55] : memref<32x125x80xi32, #tpu.memory_space<hbm>> -> memref<1x125x80xi32, #tpu.memory_space<hbm>>
      %dma_wait3A_57 = tpu.memref_squeeze %dma_wait3A_56 : memref<1x125x80xi32, #tpu.memory_space<hbm>> -> memref<125x80xi32, #tpu.memory_space<hbm>>
      tpu.wait_dma2 semaphore(%run_scoped3A_41 : memref<!tpu.dma_semaphore, #tpu.memory_space<semaphore_mem>>) src(%dma_wait3A_57 : memref<125x80xi32, #tpu.memory_space<hbm>>) dst(%arg8 : memref<125x80xi32, #tpu.memory_space<vmem>>)
      tpu.yield
    }) : () -> ()
    %barrier3A = arith.constant 0 : index
    tpu.barrier barrier_id(%barrier3A)
    %dma_start3A = arith.constant 0 : i32
    %dma_start3A_3 = arith.constant 0 : i32
    %dma_start3A_4 = arith.constant 0 : i32
    %dma_start3A_5 = arith.constant 0 : i32
    %dma_start3A_6 = tpu.memref_slice %arg9[%dma_start3A_3, %dma_start3A_4, %dma_start3A_5] : memref<2x80x128xf32, #tpu.memory_space<vmem>> -> memref<1x80x128xf32, #tpu.memory_space<vmem>>
    %dma_start3A_7 = tpu.memref_squeeze %dma_start3A_6 : memref<1x80x128xf32, #tpu.memory_space<vmem>> -> memref<80x128xf32, #tpu.memory_space<vmem>>
    %dma_start3A_8 = arith.constant 0 : i32
    %dma_start3A_9 = tpu.memref_slice %arg7[%dma_start3A, %dma_start3A_8] : memref<125x80xi32, #tpu.memory_space<vmem>> -> memref<1x80xi32, #tpu.memory_space<vmem>>
    %dma_start3A_10 = tpu.memref_squeeze %dma_start3A_9 : memref<1x80xi32, #tpu.memory_space<vmem>> -> memref<80xi32, #tpu.memory_space<vmem>>
    %dma_start3A_11 = arith.constant 0 : i32
    %dma_start3A_12 = arith.constant 0 : i32
    %dma_start3A_13 = tpu.memref_slice %arg2[%dma_start3A_11, %dma_start3A_12] : memref<10000x128xf32, #tpu.memory_space<hbm>> -> memref<10000x128xf32, #tpu.memory_space<hbm>>
    tpu.enqueue_indirect_dma source(%dma_start3A_13 : memref<10000x128xf32, #tpu.memory_space<hbm>>) target(%dma_start3A_7 : memref<80x128xf32, #tpu.memory_space<vmem>>) offsets(%dma_start3A_10 : memref<80xi32, #tpu.memory_space<vmem>>) semaphore(%arg11 : memref<!tpu.dma_semaphore, #tpu.memory_space<semaphore_mem>>)
    %scan3A = arith.constant 0 : i32
    %scan3A_14 = arith.constant 0 : i32
    %scan3A_15 = arith.constant 62 : i32
    %scan3A_16 = arith.addi %scan3A_14, %scan3A_15 : i32
    %scan3A_17 = arith.constant 1 : i32
    scf.for %scan3A_41 = %scan3A_14 to %scan3A_16 step %scan3A_17  : i32 {
      %mul3A_42 = arith.constant 2 : i32
      %mul3A_43 = arith.muli %scan3A_41, %mul3A_42 : i32
      %add3A_44 = arith.constant 0 : i32
      %add3A_45 = arith.addi %mul3A_43, %add3A_44 : i32
      %add3A_46 = arith.constant 1 : i32
      %add3A_47 = arith.addi %add3A_45, %add3A_46 : i32
      %dma_start3A_48 = arith.constant 1 : i32
      %dma_start3A_49 = arith.constant 0 : i32
      %dma_start3A_50 = arith.constant 0 : i32
      %dma_start3A_51 = tpu.memref_slice %arg9[%dma_start3A_48, %dma_start3A_49, %dma_start3A_50] : memref<2x80x128xf32, #tpu.memory_space<vmem>> -> memref<1x80x128xf32, #tpu.memory_space<vmem>>
      %dma_start3A_52 = tpu.memref_squeeze %dma_start3A_51 : memref<1x80x128xf32, #tpu.memory_space<vmem>> -> memref<80x128xf32, #tpu.memory_space<vmem>>
      %dma_start3A_53 = arith.constant 0 : i32
      %dma_start3A_54 = tpu.memref_slice %arg7[%add3A_47, %dma_start3A_53] : memref<125x80xi32, #tpu.memory_space<vmem>> -> memref<1x80xi32, #tpu.memory_space<vmem>>
      %dma_start3A_55 = tpu.memref_squeeze %dma_start3A_54 : memref<1x80xi32, #tpu.memory_space<vmem>> -> memref<80xi32, #tpu.memory_space<vmem>>
      %dma_start3A_56 = arith.constant 0 : i32
      %dma_start3A_57 = arith.constant 0 : i32
      %dma_start3A_58 = tpu.memref_slice %arg2[%dma_start3A_56, %dma_start3A_57] : memref<10000x128xf32, #tpu.memory_space<hbm>> -> memref<10000x128xf32, #tpu.memory_space<hbm>>
      tpu.enqueue_indirect_dma source(%dma_start3A_58 : memref<10000x128xf32, #tpu.memory_space<hbm>>) target(%dma_start3A_52 : memref<80x128xf32, #tpu.memory_space<vmem>>) offsets(%dma_start3A_55 : memref<80xi32, #tpu.memory_space<vmem>>) semaphore(%arg12 : memref<!tpu.dma_semaphore, #tpu.memory_space<semaphore_mem>>)
      %dma_wait3A_59 = arith.constant 0 : i32
      %dma_wait3A_60 = arith.constant 0 : i32
      %dma_wait3A_61 = arith.constant 0 : i32
      %dma_wait3A_62 = tpu.memref_slice %arg9[%dma_wait3A_59, %dma_wait3A_60, %dma_wait3A_61] : memref<2x80x128xf32, #tpu.memory_space<vmem>> -> memref<1x80x128xf32, #tpu.memory_space<vmem>>
      %dma_wait3A_63 = tpu.memref_squeeze %dma_wait3A_62 : memref<1x80x128xf32, #tpu.memory_space<vmem>> -> memref<80x128xf32, #tpu.memory_space<vmem>>
      %dma_wait3A_64 = arith.constant 0 : i32
      %dma_wait3A_65 = tpu.memref_slice %arg7[%add3A_45, %dma_wait3A_64] : memref<125x80xi32, #tpu.memory_space<vmem>> -> memref<1x80xi32, #tpu.memory_space<vmem>>
      %dma_wait3A_66 = tpu.memref_squeeze %dma_wait3A_65 : memref<1x80xi32, #tpu.memory_space<vmem>> -> memref<80xi32, #tpu.memory_space<vmem>>
      %dma_wait3A_67 = arith.constant 0 : i32
      %dma_wait3A_68 = arith.constant 0 : i32
      %dma_wait3A_69 = tpu.memref_slice %arg2[%dma_wait3A_67, %dma_wait3A_68] : memref<10000x128xf32, #tpu.memory_space<hbm>> -> memref<10000x128xf32, #tpu.memory_space<hbm>>
      tpu.wait_indirect_dma semaphore(%arg11 : memref<!tpu.dma_semaphore, #tpu.memory_space<semaphore_mem>>) src(%dma_wait3A_69 : memref<10000x128xf32, #tpu.memory_space<hbm>>) dst(%dma_wait3A_63 : memref<80x128xf32, #tpu.memory_space<vmem>>)
      %run_scoped3A_70 = arith.constant 0 : i32
      "tpu.region"() ({
        %run_scoped3A_100 = tpu.sem_alloc : memref<!tpu.dma_semaphore, #tpu.memory_space<semaphore_mem>>
        %dma_start3A_101 = arith.constant 0 : i32
        %dma_start3A_102 = arith.constant 0 : i32
        %dma_start3A_103 = tpu.memref_slice %arg9[%run_scoped3A_70, %dma_start3A_101, %dma_start3A_102] : memref<2x80x128xf32, #tpu.memory_space<vmem>> -> memref<1x80x128xf32, #tpu.memory_space<vmem>>
        %dma_start3A_104 = tpu.memref_squeeze %dma_start3A_103 : memref<1x80x128xf32, #tpu.memory_space<vmem>> -> memref<80x128xf32, #tpu.memory_space<vmem>>
        %dma_start3A_105 = arith.constant 0 : i32
        %dma_start3A_106 = tpu.memref_slice %arg8[%add3A_45, %dma_start3A_105] : memref<125x80xi32, #tpu.memory_space<vmem>> -> memref<1x80xi32, #tpu.memory_space<vmem>>
        %dma_start3A_107 = tpu.memref_squeeze %dma_start3A_106 : memref<1x80xi32, #tpu.memory_space<vmem>> -> memref<80xi32, #tpu.memory_space<vmem>>
        %dma_start3A_108 = arith.constant 0 : i32
        %dma_start3A_109 = arith.constant 0 : i32
        %dma_start3A_110 = tpu.memref_slice %arg10[%dma_start3A_108, %dma_start3A_109] : memref<10000x128xf32, #tpu.memory_space<vmem_shared>> -> memref<10000x128xf32, #tpu.memory_space<vmem_shared>>
        tpu.enqueue_indirect_dma source(%dma_start3A_104 : memref<80x128xf32, #tpu.memory_space<vmem>>) target(%dma_start3A_110 : memref<10000x128xf32, #tpu.memory_space<vmem_shared>>) offsets(%dma_start3A_107 : memref<80xi32, #tpu.memory_space<vmem>>) semaphore(%run_scoped3A_100 : memref<!tpu.dma_semaphore, #tpu.memory_space<semaphore_mem>>) {add = true}
        %dma_wait3A_111 = arith.constant 0 : i32
        %dma_wait3A_112 = arith.constant 0 : i32
        %dma_wait3A_113 = tpu.memref_slice %arg9[%run_scoped3A_70, %dma_wait3A_111, %dma_wait3A_112] : memref<2x80x128xf32, #tpu.memory_space<vmem>> -> memref<1x80x128xf32, #tpu.memory_space<vmem>>
        %dma_wait3A_114 = tpu.memref_squeeze %dma_wait3A_113 : memref<1x80x128xf32, #tpu.memory_space<vmem>> -> memref<80x128xf32, #tpu.memory_space<vmem>>
        %dma_wait3A_115 = arith.constant 0 : i32
        %dma_wait3A_116 = tpu.memref_slice %arg8[%add3A_45, %dma_wait3A_115] : memref<125x80xi32, #tpu.memory_space<vmem>> -> memref<1x80xi32, #tpu.memory_space<vmem>>
        %dma_wait3A_117 = tpu.memref_squeeze %dma_wait3A_116 : memref<1x80xi32, #tpu.memory_space<vmem>> -> memref<80xi32, #tpu.memory_space<vmem>>
        %dma_wait3A_118 = arith.constant 0 : i32
        %dma_wait3A_119 = arith.constant 0 : i32
        %dma_wait3A_120 = tpu.memref_slice %arg10[%dma_wait3A_118, %dma_wait3A_119] : memref<10000x128xf32, #tpu.memory_space<vmem_shared>> -> memref<10000x128xf32, #tpu.memory_space<vmem_shared>>
        tpu.wait_indirect_dma semaphore(%run_scoped3A_100 : memref<!tpu.dma_semaphore, #tpu.memory_space<semaphore_mem>>) src(%dma_wait3A_114 : memref<80x128xf32, #tpu.memory_space<vmem>>) dst(%dma_wait3A_120 : memref<10000x128xf32, #tpu.memory_space<vmem_shared>>)
        tpu.yield
      }) : () -> ()
      %mul3A_71 = arith.constant 2 : i32
      %mul3A_72 = arith.muli %scan3A_41, %mul3A_71 : i32
      %add3A_73 = arith.constant 1 : i32
      %add3A_74 = arith.addi %mul3A_72, %add3A_73 : i32
      %add3A_75 = arith.constant 1 : i32
      %add3A_76 = arith.addi %add3A_74, %add3A_75 : i32
      %dma_start3A_77 = arith.constant 0 : i32
      %dma_start3A_78 = arith.constant 0 : i32
      %dma_start3A_79 = arith.constant 0 : i32
      %dma_start3A_80 = tpu.memref_slice %arg9[%dma_start3A_77, %dma_start3A_78, %dma_start3A_79] : memref<2x80x128xf32, #tpu.memory_space<vmem>> -> memref<1x80x128xf32, #tpu.memory_space<vmem>>
      %dma_start3A_81 = tpu.memref_squeeze %dma_start3A_80 : memref<1x80x128xf32, #tpu.memory_space<vmem>> -> memref<80x128xf32, #tpu.memory_space<vmem>>
      %dma_start3A_82 = arith.constant 0 : i32
      %dma_start3A_83 = tpu.memref_slice %arg7[%add3A_76, %dma_start3A_82] : memref<125x80xi32, #tpu.memory_space<vmem>> -> memref<1x80xi32, #tpu.memory_space<vmem>>
      %dma_start3A_84 = tpu.memref_squeeze %dma_start3A_83 : memref<1x80xi32, #tpu.memory_space<vmem>> -> memref<80xi32, #tpu.memory_space<vmem>>
      %dma_start3A_85 = arith.constant 0 : i32
      %dma_start3A_86 = arith.constant 0 : i32
      %dma_start3A_87 = tpu.memref_slice %arg2[%dma_start3A_85, %dma_start3A_86] : memref<10000x128xf32, #tpu.memory_space<hbm>> -> memref<10000x128xf32, #tpu.memory_space<hbm>>
      tpu.enqueue_indirect_dma source(%dma_start3A_87 : memref<10000x128xf32, #tpu.memory_space<hbm>>) target(%dma_start3A_81 : memref<80x128xf32, #tpu.memory_space<vmem>>) offsets(%dma_start3A_84 : memref<80xi32, #tpu.memory_space<vmem>>) semaphore(%arg11 : memref<!tpu.dma_semaphore, #tpu.memory_space<semaphore_mem>>)
      %dma_wait3A_88 = arith.constant 1 : i32
      %dma_wait3A_89 = arith.constant 0 : i32
      %dma_wait3A_90 = arith.constant 0 : i32
      %dma_wait3A_91 = tpu.memref_slice %arg9[%dma_wait3A_88, %dma_wait3A_89, %dma_wait3A_90] : memref<2x80x128xf32, #tpu.memory_space<vmem>> -> memref<1x80x128xf32, #tpu.memory_space<vmem>>
      %dma_wait3A_92 = tpu.memref_squeeze %dma_wait3A_91 : memref<1x80x128xf32, #tpu.memory_space<vmem>> -> memref<80x128xf32, #tpu.memory_space<vmem>>
      %dma_wait3A_93 = arith.constant 0 : i32
      %dma_wait3A_94 = tpu.memref_slice %arg7[%add3A_74, %dma_wait3A_93] : memref<125x80xi32, #tpu.memory_space<vmem>> -> memref<1x80xi32, #tpu.memory_space<vmem>>
      %dma_wait3A_95 = tpu.memref_squeeze %dma_wait3A_94 : memref<1x80xi32, #tpu.memory_space<vmem>> -> memref<80xi32, #tpu.memory_space<vmem>>
      %dma_wait3A_96 = arith.constant 0 : i32
      %dma_wait3A_97 = arith.constant 0 : i32
      %dma_wait3A_98 = tpu.memref_slice %arg2[%dma_wait3A_96, %dma_wait3A_97] : memref<10000x128xf32, #tpu.memory_space<hbm>> -> memref<10000x128xf32, #tpu.memory_space<hbm>>
      tpu.wait_indirect_dma semaphore(%arg12 : memref<!tpu.dma_semaphore, #tpu.memory_space<semaphore_mem>>) src(%dma_wait3A_98 : memref<10000x128xf32, #tpu.memory_space<hbm>>) dst(%dma_wait3A_92 : memref<80x128xf32, #tpu.memory_space<vmem>>)
      %run_scoped3A_99 = arith.constant 1 : i32
      "tpu.region"() ({
        %run_scoped3A_100 = tpu.sem_alloc : memref<!tpu.dma_semaphore, #tpu.memory_space<semaphore_mem>>
        %dma_start3A_101 = arith.constant 0 : i32
        %dma_start3A_102 = arith.constant 0 : i32
        %dma_start3A_103 = tpu.memref_slice %arg9[%run_scoped3A_99, %dma_start3A_101, %dma_start3A_102] : memref<2x80x128xf32, #tpu.memory_space<vmem>> -> memref<1x80x128xf32, #tpu.memory_space<vmem>>
        %dma_start3A_104 = tpu.memref_squeeze %dma_start3A_103 : memref<1x80x128xf32, #tpu.memory_space<vmem>> -> memref<80x128xf32, #tpu.memory_space<vmem>>
        %dma_start3A_105 = arith.constant 0 : i32
        %dma_start3A_106 = tpu.memref_slice %arg8[%add3A_74, %dma_start3A_105] : memref<125x80xi32, #tpu.memory_space<vmem>> -> memref<1x80xi32, #tpu.memory_space<vmem>>
        %dma_start3A_107 = tpu.memref_squeeze %dma_start3A_106 : memref<1x80xi32, #tpu.memory_space<vmem>> -> memref<80xi32, #tpu.memory_space<vmem>>
        %dma_start3A_108 = arith.constant 0 : i32
        %dma_start3A_109 = arith.constant 0 : i32
        %dma_start3A_110 = tpu.memref_slice %arg10[%dma_start3A_108, %dma_start3A_109] : memref<10000x128xf32, #tpu.memory_space<vmem_shared>> -> memref<10000x128xf32, #tpu.memory_space<vmem_shared>>
        tpu.enqueue_indirect_dma source(%dma_start3A_104 : memref<80x128xf32, #tpu.memory_space<vmem>>) target(%dma_start3A_110 : memref<10000x128xf32, #tpu.memory_space<vmem_shared>>) offsets(%dma_start3A_107 : memref<80xi32, #tpu.memory_space<vmem>>) semaphore(%run_scoped3A_100 : memref<!tpu.dma_semaphore, #tpu.memory_space<semaphore_mem>>) {add = true}
        %dma_wait3A_111 = arith.constant 0 : i32
        %dma_wait3A_112 = arith.constant 0 : i32
        %dma_wait3A_113 = tpu.memref_slice %arg9[%run_scoped3A_99, %dma_wait3A_111, %dma_wait3A_112] : memref<2x80x128xf32, #tpu.memory_space<vmem>> -> memref<1x80x128xf32, #tpu.memory_space<vmem>>
        %dma_wait3A_114 = tpu.memref_squeeze %dma_wait3A_113 : memref<1x80x128xf32, #tpu.memory_space<vmem>> -> memref<80x128xf32, #tpu.memory_space<vmem>>
        %dma_wait3A_115 = arith.constant 0 : i32
        %dma_wait3A_116 = tpu.memref_slice %arg8[%add3A_74, %dma_wait3A_115] : memref<125x80xi32, #tpu.memory_space<vmem>> -> memref<1x80xi32, #tpu.memory_space<vmem>>
        %dma_wait3A_117 = tpu.memref_squeeze %dma_wait3A_116 : memref<1x80xi32, #tpu.memory_space<vmem>> -> memref<80xi32, #tpu.memory_space<vmem>>
        %dma_wait3A_118 = arith.constant 0 : i32
        %dma_wait3A_119 = arith.constant 0 : i32
        %dma_wait3A_120 = tpu.memref_slice %arg10[%dma_wait3A_118, %dma_wait3A_119] : memref<10000x128xf32, #tpu.memory_space<vmem_shared>> -> memref<10000x128xf32, #tpu.memory_space<vmem_shared>>
        tpu.wait_indirect_dma semaphore(%run_scoped3A_100 : memref<!tpu.dma_semaphore, #tpu.memory_space<semaphore_mem>>) src(%dma_wait3A_114 : memref<80x128xf32, #tpu.memory_space<vmem>>) dst(%dma_wait3A_120 : memref<10000x128xf32, #tpu.memory_space<vmem_shared>>)
        tpu.yield
      }) : () -> ()
    }
    %scan3A_18 = arith.constant 62 : i32
    %dma_wait3A = arith.constant 124 : i32
    %dma_wait3A_19 = arith.constant 0 : i32
    %dma_wait3A_20 = arith.constant 0 : i32
    %dma_wait3A_21 = arith.constant 0 : i32
    %dma_wait3A_22 = tpu.memref_slice %arg9[%dma_wait3A_19, %dma_wait3A_20, %dma_wait3A_21] : memref<2x80x128xf32, #tpu.memory_space<vmem>> -> memref<1x80x128xf32, #tpu.memory_space<vmem>>
    %dma_wait3A_23 = tpu.memref_squeeze %dma_wait3A_22 : memref<1x80x128xf32, #tpu.memory_space<vmem>> -> memref<80x128xf32, #tpu.memory_space<vmem>>
    %dma_wait3A_24 = arith.constant 0 : i32
    %dma_wait3A_25 = tpu.memref_slice %arg7[%dma_wait3A, %dma_wait3A_24] : memref<125x80xi32, #tpu.memory_space<vmem>> -> memref<1x80xi32, #tpu.memory_space<vmem>>
    %dma_wait3A_26 = tpu.memref_squeeze %dma_wait3A_25 : memref<1x80xi32, #tpu.memory_space<vmem>> -> memref<80xi32, #tpu.memory_space<vmem>>
    %dma_wait3A_27 = arith.constant 0 : i32
    %dma_wait3A_28 = arith.constant 0 : i32
    %dma_wait3A_29 = tpu.memref_slice %arg2[%dma_wait3A_27, %dma_wait3A_28] : memref<10000x128xf32, #tpu.memory_space<hbm>> -> memref<10000x128xf32, #tpu.memory_space<hbm>>
    tpu.wait_indirect_dma semaphore(%arg11 : memref<!tpu.dma_semaphore, #tpu.memory_space<semaphore_mem>>) src(%dma_wait3A_29 : memref<10000x128xf32, #tpu.memory_space<hbm>>) dst(%dma_wait3A_23 : memref<80x128xf32, #tpu.memory_space<vmem>>)
    %run_scoped3A = arith.constant 0 : i32
    %run_scoped3A_30 = arith.constant 124 : i32
    "tpu.region"() ({
      %run_scoped3A_41 = tpu.sem_alloc : memref<!tpu.dma_semaphore, #tpu.memory_space<semaphore_mem>>
      %dma_start3A_42 = arith.constant 0 : i32
      %dma_start3A_43 = arith.constant 0 : i32
      %dma_start3A_44 = tpu.memref_slice %arg9[%run_scoped3A, %dma_start3A_42, %dma_start3A_43] : memref<2x80x128xf32, #tpu.memory_space<vmem>> -> memref<1x80x128xf32, #tpu.memory_space<vmem>>
      %dma_start3A_45 = tpu.memref_squeeze %dma_start3A_44 : memref<1x80x128xf32, #tpu.memory_space<vmem>> -> memref<80x128xf32, #tpu.memory_space<vmem>>
      %dma_start3A_46 = arith.constant 0 : i32
      %dma_start3A_47 = tpu.memref_slice %arg8[%run_scoped3A_30, %dma_start3A_46] : memref<125x80xi32, #tpu.memory_space<vmem>> -> memref<1x80xi32, #tpu.memory_space<vmem>>
      %dma_start3A_48 = tpu.memref_squeeze %dma_start3A_47 : memref<1x80xi32, #tpu.memory_space<vmem>> -> memref<80xi32, #tpu.memory_space<vmem>>
      %dma_start3A_49 = arith.constant 0 : i32
      %dma_start3A_50 = arith.constant 0 : i32
      %dma_start3A_51 = tpu.memref_slice %arg10[%dma_start3A_49, %dma_start3A_50] : memref<10000x128xf32, #tpu.memory_space<vmem_shared>> -> memref<10000x128xf32, #tpu.memory_space<vmem_shared>>
      tpu.enqueue_indirect_dma source(%dma_start3A_45 : memref<80x128xf32, #tpu.memory_space<vmem>>) target(%dma_start3A_51 : memref<10000x128xf32, #tpu.memory_space<vmem_shared>>) offsets(%dma_start3A_48 : memref<80xi32, #tpu.memory_space<vmem>>) semaphore(%run_scoped3A_41 : memref<!tpu.dma_semaphore, #tpu.memory_space<semaphore_mem>>) {add = true}
      %dma_wait3A_52 = arith.constant 0 : i32
      %dma_wait3A_53 = arith.constant 0 : i32
      %dma_wait3A_54 = tpu.memref_slice %arg9[%run_scoped3A, %dma_wait3A_52, %dma_wait3A_53] : memref<2x80x128xf32, #tpu.memory_space<vmem>> -> memref<1x80x128xf32, #tpu.memory_space<vmem>>
      %dma_wait3A_55 = tpu.memref_squeeze %dma_wait3A_54 : memref<1x80x128xf32, #tpu.memory_space<vmem>> -> memref<80x128xf32, #tpu.memory_space<vmem>>
      %dma_wait3A_56 = arith.constant 0 : i32
      %dma_wait3A_57 = tpu.memref_slice %arg8[%run_scoped3A_30, %dma_wait3A_56] : memref<125x80xi32, #tpu.memory_space<vmem>> -> memref<1x80xi32, #tpu.memory_space<vmem>>
      %dma_wait3A_58 = tpu.memref_squeeze %dma_wait3A_57 : memref<1x80xi32, #tpu.memory_space<vmem>> -> memref<80xi32, #tpu.memory_space<vmem>>
      %dma_wait3A_59 = arith.constant 0 : i32
      %dma_wait3A_60 = arith.constant 0 : i32
      %dma_wait3A_61 = tpu.memref_slice %arg10[%dma_wait3A_59, %dma_wait3A_60] : memref<10000x128xf32, #tpu.memory_space<vmem_shared>> -> memref<10000x128xf32, #tpu.memory_space<vmem_shared>>
      tpu.wait_indirect_dma semaphore(%run_scoped3A_41 : memref<!tpu.dma_semaphore, #tpu.memory_space<semaphore_mem>>) src(%dma_wait3A_55 : memref<80x128xf32, #tpu.memory_space<vmem>>) dst(%dma_wait3A_61 : memref<10000x128xf32, #tpu.memory_space<vmem_shared>>)
      tpu.yield
    }) : () -> ()
    %barrier3A_31 = arith.constant 0 : index
    tpu.barrier barrier_id(%barrier3A_31)
    %mul3A_32 = arith.constant 624 : i32
    %mul3A_33 = arith.muli %arg1, %mul3A_32 : i32
    %mul3A_34 = arith.constant 624 : i32
    %mul3A_35 = arith.muli %arg1, %mul3A_34 : i32
    "tpu.region"() ({
      %run_scoped3A_41 = tpu.sem_alloc : memref<!tpu.dma_semaphore, #tpu.memory_space<semaphore_mem>>
      %dma_start3A_42 = arith.constant 0 : i32
      %dma_start3A_43 = arith.constant 0 : i32
      %dma_start3A_44 = tpu.memref_slice %arg6[%arg0, %dma_start3A_42, %dma_start3A_43] : memref<2x10000x128xf32, #tpu.memory_space<hbm>> -> memref<1x10000x128xf32, #tpu.memory_space<hbm>>
      %dma_start3A_45 = tpu.memref_squeeze %dma_start3A_44 : memref<1x10000x128xf32, #tpu.memory_space<hbm>> -> memref<10000x128xf32, #tpu.memory_space<hbm>>
      %dma_start3A_46 = arith.constant 0 : i32
      %dma_start3A_47 = tpu.memref_slice %dma_start3A_45[%mul3A_35, %dma_start3A_46] : memref<10000x128xf32, #tpu.memory_space<hbm>> -> memref<624x128xf32, #tpu.memory_space<hbm>>
      %dma_start3A_48 = arith.constant 0 : i32
      %dma_start3A_49 = tpu.memref_slice %arg10[%mul3A_33, %dma_start3A_48] : memref<10000x128xf32, #tpu.memory_space<vmem_shared>> -> memref<624x128xf32, #tpu.memory_space<vmem_shared>>
      tpu.enqueue_dma source(%dma_start3A_49 : memref<624x128xf32, #tpu.memory_space<vmem_shared>>) target(%dma_start3A_47 : memref<624x128xf32, #tpu.memory_space<hbm>>) target_semaphore(%run_scoped3A_41 : memref<!tpu.dma_semaphore, #tpu.memory_space<semaphore_mem>>)
      %dma_wait3A_50 = arith.constant 0 : i32
      %dma_wait3A_51 = arith.constant 0 : i32
      %dma_wait3A_52 = tpu.memref_slice %arg6[%arg0, %dma_wait3A_50, %dma_wait3A_51] : memref<2x10000x128xf32, #tpu.memory_space<hbm>> -> memref<1x10000x128xf32, #tpu.memory_space<hbm>>
      %dma_wait3A_53 = tpu.memref_squeeze %dma_wait3A_52 : memref<1x10000x128xf32, #tpu.memory_space<hbm>> -> memref<10000x128xf32, #tpu.memory_space<hbm>>
      %dma_wait3A_54 = arith.constant 0 : i32
      %dma_wait3A_55 = tpu.memref_slice %dma_wait3A_53[%mul3A_35, %dma_wait3A_54] : memref<10000x128xf32, #tpu.memory_space<hbm>> -> memref<624x128xf32, #tpu.memory_space<hbm>>
      %dma_wait3A_56 = arith.constant 0 : i32
      %dma_wait3A_57 = tpu.memref_slice %arg10[%mul3A_33, %dma_wait3A_56] : memref<10000x128xf32, #tpu.memory_space<vmem_shared>> -> memref<624x128xf32, #tpu.memory_space<vmem_shared>>
      tpu.wait_dma2 semaphore(%run_scoped3A_41 : memref<!tpu.dma_semaphore, #tpu.memory_space<semaphore_mem>>) src(%dma_wait3A_57 : memref<624x128xf32, #tpu.memory_space<vmem_shared>>) dst(%dma_wait3A_55 : memref<624x128xf32, #tpu.memory_space<hbm>>)
      tpu.yield
    }) : () -> ()
    %eq3A_36 = arith.constant 15 : i32
    %eq3A_37 = arith.cmpi eq, %arg1, %eq3A_36 : i32
    %convert_element_type3A_38 = arith.extui %eq3A_37 : i1 to i32
    %cond3A_39 = arith.constant 0 : i32
    %cond3A_40 = arith.cmpi ne, %convert_element_type3A_38, %cond3A_39 : i32
    scf.if %cond3A_40 {
      "tpu.region"() ({
        %run_scoped3A_41 = tpu.sem_alloc : memref<!tpu.dma_semaphore, #tpu.memory_space<semaphore_mem>>
        %dma_start3A_42 = arith.constant 0 : i32
        %dma_start3A_43 = arith.constant 0 : i32
        %dma_start3A_44 = tpu.memref_slice %arg6[%arg0, %dma_start3A_42, %dma_start3A_43] : memref<2x10000x128xf32, #tpu.memory_space<hbm>> -> memref<1x10000x128xf32, #tpu.memory_space<hbm>>
        %dma_start3A_45 = tpu.memref_squeeze %dma_start3A_44 : memref<1x10000x128xf32, #tpu.memory_space<hbm>> -> memref<10000x128xf32, #tpu.memory_space<hbm>>
        %dma_start3A_46 = arith.constant 9984 : i32
        %dma_start3A_47 = arith.constant 0 : i32
        %dma_start3A_48 = tpu.memref_slice %dma_start3A_45[%dma_start3A_46, %dma_start3A_47] : memref<10000x128xf32, #tpu.memory_space<hbm>> -> memref<16x128xf32, #tpu.memory_space<hbm>>
        %dma_start3A_49 = arith.constant 9984 : i32
        %dma_start3A_50 = arith.constant 0 : i32
        %dma_start3A_51 = tpu.memref_slice %arg10[%dma_start3A_49, %dma_start3A_50] : memref<10000x128xf32, #tpu.memory_space<vmem_shared>> -> memref<16x128xf32, #tpu.memory_space<vmem_shared>>
        tpu.enqueue_dma source(%dma_start3A_51 : memref<16x128xf32, #tpu.memory_space<vmem_shared>>) target(%dma_start3A_48 : memref<16x128xf32, #tpu.memory_space<hbm>>) target_semaphore(%run_scoped3A_41 : memref<!tpu.dma_semaphore, #tpu.memory_space<semaphore_mem>>)
        %dma_wait3A_52 = arith.constant 0 : i32
        %dma_wait3A_53 = arith.constant 0 : i32
        %dma_wait3A_54 = tpu.memref_slice %arg6[%arg0, %dma_wait3A_52, %dma_wait3A_53] : memref<2x10000x128xf32, #tpu.memory_space<hbm>> -> memref<1x10000x128xf32, #tpu.memory_space<hbm>>
        %dma_wait3A_55 = tpu.memref_squeeze %dma_wait3A_54 : memref<1x10000x128xf32, #tpu.memory_space<hbm>> -> memref<10000x128xf32, #tpu.memory_space<hbm>>
        %dma_wait3A_56 = arith.constant 9984 : i32
        %dma_wait3A_57 = arith.constant 0 : i32
        %dma_wait3A_58 = tpu.memref_slice %dma_wait3A_55[%dma_wait3A_56, %dma_wait3A_57] : memref<10000x128xf32, #tpu.memory_space<hbm>> -> memref<16x128xf32, #tpu.memory_space<hbm>>
        %dma_wait3A_59 = arith.constant 9984 : i32
        %dma_wait3A_60 = arith.constant 0 : i32
        %dma_wait3A_61 = tpu.memref_slice %arg10[%dma_wait3A_59, %dma_wait3A_60] : memref<10000x128xf32, #tpu.memory_space<vmem_shared>> -> memref<16x128xf32, #tpu.memory_space<vmem_shared>>
        tpu.wait_dma2 semaphore(%run_scoped3A_41 : memref<!tpu.dma_semaphore, #tpu.memory_space<semaphore_mem>>) src(%dma_wait3A_61 : memref<16x128xf32, #tpu.memory_space<vmem_shared>>) dst(%dma_wait3A_58 : memref<16x128xf32, #tpu.memory_space<hbm>>)
        tpu.yield
      }) : () -> ()
    } else {
    }
    return
  }
}

module attributes {stable_mosaic.version = 14 : i64} {
  func.func @body(%arg0: i32, %arg1: memref<1000x128xf32, #tpu.memory_space<vmem>>, %arg2: memref<128x128xf32, #tpu.memory_space<vmem>>, %arg3: memref<128x128xf32, #tpu.memory_space<vmem>>, %arg4: memref<1x128xf32, #tpu.memory_space<vmem>>, %arg5: memref<1000x128xf32, #tpu.memory_space<vmem>>, %arg6: memref<1000x128xf32, #tpu.memory_space<vmem>>) attributes {dimension_semantics = [#tpu.dimension_semantics<arbitrary>], iteration_bounds = array<i64: 10>, scalar_prefetch = 0 : i64, scratch_operands = 0 : i64, tpu.core_type = #tpu.core_type<tc>, window_params = [{transform_indices = @transform_0, window_bounds = array<i64: 1000, 128>}, {pipeline_mode = #tpu.pipeline_mode<synchronous>, transform_indices = @transform_1, window_bounds = array<i64: 128, 128>}, {pipeline_mode = #tpu.pipeline_mode<synchronous>, transform_indices = @transform_2, window_bounds = array<i64: 128, 128>}, {pipeline_mode = #tpu.pipeline_mode<synchronous>, transform_indices = @transform_3, window_bounds = array<i64: 1, 128>}, {transform_indices = @transform_4, window_bounds = array<i64: 1000, 128>}, {transform_indices = @transform_5, window_bounds = array<i64: 1000, 128>}]} {
    %get3A = arith.constant 0 : index
    %get3A_0 = arith.constant 0 : index
    %get3A_1 = vector.load %arg1[%get3A, %get3A_0] : memref<1000x128xf32, #tpu.memory_space<vmem>>, vector<1000x128xf32>
    %get3A_2 = arith.constant 0 : index
    %get3A_3 = arith.constant 0 : index
    %get3A_4 = vector.load %arg2[%get3A_2, %get3A_3] : memref<128x128xf32, #tpu.memory_space<vmem>>, vector<128x128xf32>
    %dot_general3A = arith.constant dense<0.000000e+00> : vector<1000x128xf32>
    %dot_general3A_5 = tpu.matmul %get3A_1, %get3A_4, %dot_general3A {dimension_numbers = #tpu.dot_dimension_numbers<[1], [0], [0], [1], [0, 0, 1, 1], [], []>, transpose_lhs_hint = false} : vector<1000x128xf32>, vector<128x128xf32>, vector<1000x128xf32> -> vector<1000x128xf32>
    %swap3A = arith.constant 0 : index
    %swap3A_6 = arith.constant 0 : index
    %swap3A_7 = vector.load %arg5[%swap3A, %swap3A_6] : memref<1000x128xf32, #tpu.memory_space<vmem>>, vector<1000x128xf32>
    tpu.vector_store %arg5[%swap3A, %swap3A_6], %dot_general3A_5 {strides = array<i32>} : memref<1000x128xf32, #tpu.memory_space<vmem>>, vector<1000x128xf32>,
    %get3A_8 = arith.constant 0 : index
    %get3A_9 = arith.constant 0 : index
    %get3A_10 = vector.load %arg3[%get3A_8, %get3A_9] : memref<128x128xf32, #tpu.memory_space<vmem>>, vector<128x128xf32>
    %dot_general3A_11 = arith.constant dense<0.000000e+00> : vector<1000x128xf32>
    %dot_general3A_12 = tpu.matmul %get3A_1, %get3A_10, %dot_general3A_11 {dimension_numbers = #tpu.dot_dimension_numbers<[1], [0], [0], [1], [0, 0, 1, 1], [], []>, transpose_lhs_hint = false} : vector<1000x128xf32>, vector<128x128xf32>, vector<1000x128xf32> -> vector<1000x128xf32>
    %get3A_13 = arith.constant 0 : index
    %get3A_14 = arith.constant 0 : index
    %get3A_15 = vector.load %arg4[%get3A_13, %get3A_14] : memref<1x128xf32, #tpu.memory_space<vmem>>, vector<1x128xf32>
    %add3A = vector.broadcast %get3A_15 : vector<1x128xf32> to vector<1000x128xf32>
    %add3A_16 = arith.addf %dot_general3A_12, %add3A : vector<1000x128xf32>
    %swap3A_17 = arith.constant 0 : index
    %swap3A_18 = arith.constant 0 : index
    %swap3A_19 = vector.load %arg6[%swap3A_17, %swap3A_18] : memref<1000x128xf32, #tpu.memory_space<vmem>>, vector<1000x128xf32>
    tpu.vector_store %arg6[%swap3A_17, %swap3A_18], %add3A_16 {strides = array<i32>} : memref<1000x128xf32, #tpu.memory_space<vmem>>, vector<1000x128xf32>,
    return
  }
  func.func @transform_0(%arg0: i32) -> (i32, i32) {
    %c0_i32 = arith.constant 0 : i32
    %c0_i32_0 = arith.constant 0 : i32
    return %arg0, %c0_i32 : i32, i32
  }
  func.func @transform_1(%arg0: i32) -> (i32, i32) {
    %c0_i32 = arith.constant 0 : i32
    %c0_i32_0 = arith.constant 0 : i32
    %c0_i32_1 = arith.constant 0 : i32
    return %c0_i32, %c0_i32_0 : i32, i32
  }
  func.func @transform_2(%arg0: i32) -> (i32, i32) {
    %c0_i32 = arith.constant 0 : i32
    %c0_i32_0 = arith.constant 0 : i32
    %c0_i32_1 = arith.constant 0 : i32
    return %c0_i32, %c0_i32_0 : i32, i32
  }
  func.func @transform_3(%arg0: i32) -> (i32, i32) {
    %c0_i32 = arith.constant 0 : i32
    %c0_i32_0 = arith.constant 0 : i32
    %c0_i32_1 = arith.constant 0 : i32
    return %c0_i32, %c0_i32_0 : i32, i32
  }
  func.func @transform_4(%arg0: i32) -> (i32, i32) {
    %c0_i32 = arith.constant 0 : i32
    %c0_i32_0 = arith.constant 0 : i32
    return %arg0, %c0_i32 : i32, i32
  }
  func.func @transform_5(%arg0: i32) -> (i32, i32) {
    %c0_i32 = arith.constant 0 : i32
    %c0_i32_0 = arith.constant 0 : i32
    return %arg0, %c0_i32 : i32, i32
  }
}

module attributes {stable_mosaic.version = 14 : i64} {
  func.func @body(%arg0: i32, %arg1: memref<2x1000x128xf32, #tpu.memory_space<vmem>>, %arg2: memref<2x1000x16xf32, #tpu.memory_space<vmem>>, %arg3: memref<1000x128xf32, #tpu.memory_space<vmem>>, %arg4: memref<128x128xf32, #tpu.memory_space<vmem>>, %arg5: memref<128x128xf32, #tpu.memory_space<vmem>>, %arg6: memref<1x128xf32, #tpu.memory_space<vmem>>, %arg7: memref<1000x128xf32, #tpu.memory_space<vmem>>, %arg8: memref<1000x128xf32, #tpu.memory_space<vmem>>) attributes {dimension_semantics = [#tpu.dimension_semantics<arbitrary>], iteration_bounds = array<i64: 10>, scalar_prefetch = 0 : i64, scratch_operands = 0 : i64, tpu.core_type = #tpu.core_type<tc>, window_params = [{transform_indices = @transform_0, window_bounds = array<i64: 2, 1000, 128>}, {transform_indices = @transform_1, window_bounds = array<i64: 2, 1000, 16>}, {transform_indices = @transform_2, window_bounds = array<i64: 1000, 128>}, {pipeline_mode = #tpu.pipeline_mode<synchronous>, transform_indices = @transform_3, window_bounds = array<i64: 128, 128>}, {pipeline_mode = #tpu.pipeline_mode<synchronous>, transform_indices = @transform_4, window_bounds = array<i64: 128, 128>}, {pipeline_mode = #tpu.pipeline_mode<synchronous>, transform_indices = @transform_5, window_bounds = array<i64: 1, 128>}, {transform_indices = @transform_6, window_bounds = array<i64: 1000, 128>}, {transform_indices = @transform_7, window_bounds = array<i64: 1000, 128>}]} {
    %get3A = arith.constant 0 : index
    %get3A_0 = arith.constant 0 : index
    %get3A_1 = arith.constant 0 : index
    %get3A_2 = vector.load %arg1[%get3A, %get3A_0, %get3A_1] : memref<2x1000x128xf32, #tpu.memory_space<vmem>>, vector<1x1000x128xf32>
    %get3A_3 = vector.shape_cast %get3A_2 : vector<1x1000x128xf32> to vector<1000x128xf32>
    %get3A_4 = arith.constant 1 : index
    %get3A_5 = arith.constant 0 : index
    %get3A_6 = arith.constant 0 : index
    %get3A_7 = vector.load %arg1[%get3A_4, %get3A_5, %get3A_6] : memref<2x1000x128xf32, #tpu.memory_space<vmem>>, vector<1x1000x128xf32>
    %get3A_8 = vector.shape_cast %get3A_7 : vector<1x1000x128xf32> to vector<1000x128xf32>
    %add3A = arith.addf %get3A_3, %get3A_8 : vector<1000x128xf32>
    %get3A_9 = arith.constant 0 : index
    %get3A_10 = arith.constant 0 : index
    %get3A_11 = arith.constant 0 : index
    %get3A_12 = vector.load %arg2[%get3A_9, %get3A_10, %get3A_11] : memref<2x1000x16xf32, #tpu.memory_space<vmem>>, vector<1x1000x16xf32>
    %get3A_13 = vector.shape_cast %get3A_12 : vector<1x1000x16xf32> to vector<1000x16xf32>
    %get3A_14 = arith.constant 1 : index
    %get3A_15 = arith.constant 0 : index
    %get3A_16 = arith.constant 0 : index
    %get3A_17 = vector.load %arg2[%get3A_14, %get3A_15, %get3A_16] : memref<2x1000x16xf32, #tpu.memory_space<vmem>>, vector<1x1000x16xf32>
    %get3A_18 = vector.shape_cast %get3A_17 : vector<1x1000x16xf32> to vector<1000x16xf32>
    %add3A_19 = arith.addf %get3A_13, %get3A_18 : vector<1000x16xf32>
    %slice3A = vector.extract_strided_slice %add3A_19 {offsets = [0, 0], sizes = [1000, 1], strides = [1, 1]} : vector<1000x16xf32> to vector<1000x1xf32>
    %jit3A = arith.constant 1.000000e+00 : f32
    %max3A = vector.broadcast %jit3A : f32 to vector<1000x1xf32>
    %max3A_20 = arith.maximumf %max3A, %slice3A : vector<1000x1xf32>
    %div3A = vector.broadcast %max3A_20 : vector<1000x1xf32> to vector<1000x128xf32>
    %div3A_21 = arith.divf %add3A, %div3A : vector<1000x128xf32>
    %get3A_22 = arith.constant 0 : index
    %get3A_23 = arith.constant 0 : index
    %get3A_24 = vector.load %arg3[%get3A_22, %get3A_23] : memref<1000x128xf32, #tpu.memory_space<vmem>>, vector<1000x128xf32>
    %add3A_25 = arith.addf %div3A_21, %get3A_24 : vector<1000x128xf32>
    %max3A_26 = arith.constant 0.000000e+00 : f32
    %max3A_27 = vector.broadcast %max3A_26 : f32 to vector<1000x128xf32>
    %max3A_28 = arith.maximumf %add3A_25, %max3A_27 : vector<1000x128xf32>
    %get3A_29 = arith.constant 0 : index
    %get3A_30 = arith.constant 0 : index
    %get3A_31 = vector.load %arg4[%get3A_29, %get3A_30] : memref<128x128xf32, #tpu.memory_space<vmem>>, vector<128x128xf32>
    %dot_general3A = arith.constant dense<0.000000e+00> : vector<1000x128xf32>
    %dot_general3A_32 = tpu.matmul %max3A_28, %get3A_31, %dot_general3A {dimension_numbers = #tpu.dot_dimension_numbers<[1], [0], [0], [1], [0, 0, 1, 1], [], []>, transpose_lhs_hint = false} : vector<1000x128xf32>, vector<128x128xf32>, vector<1000x128xf32> -> vector<1000x128xf32>
    %swap3A = arith.constant 0 : index
    %swap3A_33 = arith.constant 0 : index
    %swap3A_34 = vector.load %arg7[%swap3A, %swap3A_33] : memref<1000x128xf32, #tpu.memory_space<vmem>>, vector<1000x128xf32>
    tpu.vector_store %arg7[%swap3A, %swap3A_33], %dot_general3A_32 {strides = array<i32>} : memref<1000x128xf32, #tpu.memory_space<vmem>>, vector<1000x128xf32>,
    %get3A_35 = arith.constant 0 : index
    %get3A_36 = arith.constant 0 : index
    %get3A_37 = vector.load %arg5[%get3A_35, %get3A_36] : memref<128x128xf32, #tpu.memory_space<vmem>>, vector<128x128xf32>
    %dot_general3A_38 = arith.constant dense<0.000000e+00> : vector<1000x128xf32>
    %dot_general3A_39 = tpu.matmul %max3A_28, %get3A_37, %dot_general3A_38 {dimension_numbers = #tpu.dot_dimension_numbers<[1], [0], [0], [1], [0, 0, 1, 1], [], []>, transpose_lhs_hint = false} : vector<1000x128xf32>, vector<128x128xf32>, vector<1000x128xf32> -> vector<1000x128xf32>
    %get3A_40 = arith.constant 0 : index
    %get3A_41 = arith.constant 0 : index
    %get3A_42 = vector.load %arg6[%get3A_40, %get3A_41] : memref<1x128xf32, #tpu.memory_space<vmem>>, vector<1x128xf32>
    %add3A_43 = vector.broadcast %get3A_42 : vector<1x128xf32> to vector<1000x128xf32>
    %add3A_44 = arith.addf %dot_general3A_39, %add3A_43 : vector<1000x128xf32>
    %swap3A_45 = arith.constant 0 : index
    %swap3A_46 = arith.constant 0 : index
    %swap3A_47 = vector.load %arg8[%swap3A_45, %swap3A_46] : memref<1000x128xf32, #tpu.memory_space<vmem>>, vector<1000x128xf32>
    tpu.vector_store %arg8[%swap3A_45, %swap3A_46], %add3A_44 {strides = array<i32>} : memref<1000x128xf32, #tpu.memory_space<vmem>>, vector<1000x128xf32>,
    return
  }
  func.func @transform_0(%arg0: i32) -> (i32, i32, i32) {
    %c0_i32 = arith.constant 0 : i32
    %c0_i32_0 = arith.constant 0 : i32
    %c0_i32_1 = arith.constant 0 : i32
    return %c0_i32, %arg0, %c0_i32_0 : i32, i32, i32
  }
  func.func @transform_1(%arg0: i32) -> (i32, i32, i32) {
    %c0_i32 = arith.constant 0 : i32
    %c0_i32_0 = arith.constant 0 : i32
    %c0_i32_1 = arith.constant 0 : i32
    return %c0_i32, %arg0, %c0_i32_0 : i32, i32, i32
  }
  func.func @transform_2(%arg0: i32) -> (i32, i32) {
    %c0_i32 = arith.constant 0 : i32
    %c0_i32_0 = arith.constant 0 : i32
    return %arg0, %c0_i32 : i32, i32
  }
  func.func @transform_3(%arg0: i32) -> (i32, i32) {
    %c0_i32 = arith.constant 0 : i32
    %c0_i32_0 = arith.constant 0 : i32
    %c0_i32_1 = arith.constant 0 : i32
    return %c0_i32, %c0_i32_0 : i32, i32
  }
  func.func @transform_4(%arg0: i32) -> (i32, i32) {
    %c0_i32 = arith.constant 0 : i32
    %c0_i32_0 = arith.constant 0 : i32
    %c0_i32_1 = arith.constant 0 : i32
    return %c0_i32, %c0_i32_0 : i32, i32
  }
  func.func @transform_5(%arg0: i32) -> (i32, i32) {
    %c0_i32 = arith.constant 0 : i32
    %c0_i32_0 = arith.constant 0 : i32
    %c0_i32_1 = arith.constant 0 : i32
    return %c0_i32, %c0_i32_0 : i32, i32
  }
  func.func @transform_6(%arg0: i32) -> (i32, i32) {
    %c0_i32 = arith.constant 0 : i32
    %c0_i32_0 = arith.constant 0 : i32
    return %arg0, %c0_i32 : i32, i32
  }
  func.func @transform_7(%arg0: i32) -> (i32, i32) {
    %c0_i32 = arith.constant 0 : i32
    %c0_i32_0 = arith.constant 0 : i32
    return %arg0, %c0_i32 : i32, i32
  }
}

module attributes {stable_mosaic.version = 14 : i64} {
  func.func @body(%arg0: i32, %arg1: memref<2x1000x128xf32, #tpu.memory_space<vmem>>, %arg2: memref<2x1000x16xf32, #tpu.memory_space<vmem>>, %arg3: memref<1000x128xf32, #tpu.memory_space<vmem>>, %arg4: memref<1x1x1000xi32, #tpu.memory_space<vmem>>, %arg5: memref<64x128xf32, #tpu.memory_space<vmem>>, %arg6: memref<64x128xf32, #tpu.memory_space<vmem>>, %arg7: memref<64x128xf32, #tpu.memory_space<vmem>>) attributes {dimension_semantics = [#tpu.dimension_semantics<arbitrary>], iteration_bounds = array<i64: 10>, scalar_prefetch = 0 : i64, scratch_operands = 2 : i64, tpu.core_type = #tpu.core_type<tc>, window_params = [{transform_indices = @transform_0, window_bounds = array<i64: 2, 1000, 128>}, {transform_indices = @transform_1, window_bounds = array<i64: 2, 1000, 16>}, {transform_indices = @transform_2, window_bounds = array<i64: 1000, 128>}, {transform_indices = @transform_3, window_bounds = array<i64: 1, 1, 1000>}, {pipeline_mode = #tpu.pipeline_mode<synchronous>, transform_indices = @transform_4, window_bounds = array<i64: 64, 128>}]} {
    %get3A = arith.constant 0 : index
    %get3A_0 = arith.constant 0 : index
    %get3A_1 = arith.constant 0 : index
    %get3A_2 = vector.load %arg1[%get3A, %get3A_0, %get3A_1] : memref<2x1000x128xf32, #tpu.memory_space<vmem>>, vector<1x1000x128xf32>
    %get3A_3 = vector.shape_cast %get3A_2 : vector<1x1000x128xf32> to vector<1000x128xf32>
    %get3A_4 = arith.constant 1 : index
    %get3A_5 = arith.constant 0 : index
    %get3A_6 = arith.constant 0 : index
    %get3A_7 = vector.load %arg1[%get3A_4, %get3A_5, %get3A_6] : memref<2x1000x128xf32, #tpu.memory_space<vmem>>, vector<1x1000x128xf32>
    %get3A_8 = vector.shape_cast %get3A_7 : vector<1x1000x128xf32> to vector<1000x128xf32>
    %add3A = arith.addf %get3A_3, %get3A_8 : vector<1000x128xf32>
    %get3A_9 = arith.constant 0 : index
    %get3A_10 = arith.constant 0 : index
    %get3A_11 = arith.constant 0 : index
    %get3A_12 = vector.load %arg2[%get3A_9, %get3A_10, %get3A_11] : memref<2x1000x16xf32, #tpu.memory_space<vmem>>, vector<1x1000x16xf32>
    %get3A_13 = vector.shape_cast %get3A_12 : vector<1x1000x16xf32> to vector<1000x16xf32>
    %get3A_14 = arith.constant 1 : index
    %get3A_15 = arith.constant 0 : index
    %get3A_16 = arith.constant 0 : index
    %get3A_17 = vector.load %arg2[%get3A_14, %get3A_15, %get3A_16] : memref<2x1000x16xf32, #tpu.memory_space<vmem>>, vector<1x1000x16xf32>
    %get3A_18 = vector.shape_cast %get3A_17 : vector<1x1000x16xf32> to vector<1000x16xf32>
    %add3A_19 = arith.addf %get3A_13, %get3A_18 : vector<1000x16xf32>
    %slice3A = vector.extract_strided_slice %add3A_19 {offsets = [0, 0], sizes = [1000, 1], strides = [1, 1]} : vector<1000x16xf32> to vector<1000x1xf32>
    %jit3A = arith.constant 1.000000e+00 : f32
    %max3A = vector.broadcast %jit3A : f32 to vector<1000x1xf32>
    %max3A_20 = arith.maximumf %max3A, %slice3A : vector<1000x1xf32>
    %div3A = vector.broadcast %max3A_20 : vector<1000x1xf32> to vector<1000x128xf32>
    %div3A_21 = arith.divf %add3A, %div3A : vector<1000x128xf32>
    %get3A_22 = arith.constant 0 : index
    %get3A_23 = arith.constant 0 : index
    %get3A_24 = vector.load %arg3[%get3A_22, %get3A_23] : memref<1000x128xf32, #tpu.memory_space<vmem>>, vector<1000x128xf32>
    %add3A_25 = arith.addf %div3A_21, %get3A_24 : vector<1000x128xf32>
    %get3A_26 = arith.constant 0 : index
    %get3A_27 = arith.constant 0 : index
    %get3A_28 = arith.constant 0 : index
    %get3A_29 = vector.load %arg4[%get3A_26, %get3A_27, %get3A_28] : memref<1x1x1000xi32, #tpu.memory_space<vmem>>, vector<1x1x1000xi32>
    %get3A_30 = vector.shape_cast %get3A_29 : vector<1x1x1000xi32> to vector<1x1000xi32>
    %iota3A = tpu.iota {dimensions = array<i32: 0>} : vector<64x1000xi32>
    %eq3A = vector.broadcast %get3A_30 : vector<1x1000xi32> to vector<64x1000xi32>
    %eq3A_31 = arith.cmpi eq, %iota3A, %eq3A : vector<64x1000xi32>
    %convert_element_type3A = arith.extui %eq3A_31 : vector<64x1000xi1> to vector<64x1000xi32>
    %convert_element_type3A_32 = arith.sitofp %convert_element_type3A : vector<64x1000xi32> to vector<64x1000xf32>
    %eq3A_33 = arith.constant 0 : i32
    %eq3A_34 = arith.cmpi eq, %arg0, %eq3A_33 : i32
    %convert_element_type3A_35 = arith.extui %eq3A_34 : i1 to i32
    %cond3A = arith.constant 0 : i32
    %cond3A_36 = arith.cmpi ne, %convert_element_type3A_35, %cond3A : i32
    scf.if %cond3A_36 {
      %broadcast_in_dim3A_59 = arith.constant 0.000000e+00 : f32
      %broadcast_in_dim3A_60 = vector.broadcast %broadcast_in_dim3A_59 : f32 to vector<64x128xf32>
      %swap3A_61 = arith.constant 0 : index
      %swap3A_62 = arith.constant 0 : index
      %swap3A_63 = vector.load %arg6[%swap3A_61, %swap3A_62] : memref<64x128xf32, #tpu.memory_space<vmem>>, vector<64x128xf32>
      tpu.vector_store %arg6[%swap3A_61, %swap3A_62], %broadcast_in_dim3A_60 {strides = array<i32>} : memref<64x128xf32, #tpu.memory_space<vmem>>, vector<64x128xf32>,
      %broadcast_in_dim3A_64 = arith.constant 0.000000e+00 : f32
      %broadcast_in_dim3A_65 = vector.broadcast %broadcast_in_dim3A_64 : f32 to vector<64x128xf32>
      %swap3A_66 = arith.constant 0 : index
      %swap3A_67 = arith.constant 0 : index
      %swap3A_68 = vector.load %arg7[%swap3A_66, %swap3A_67] : memref<64x128xf32, #tpu.memory_space<vmem>>, vector<64x128xf32>
      tpu.vector_store %arg7[%swap3A_66, %swap3A_67], %broadcast_in_dim3A_65 {strides = array<i32>} : memref<64x128xf32, #tpu.memory_space<vmem>>, vector<64x128xf32>,
    } else {
    }
    %get3A_37 = arith.constant 0 : index
    %get3A_38 = arith.constant 0 : index
    %get3A_39 = vector.load %arg6[%get3A_37, %get3A_38] : memref<64x128xf32, #tpu.memory_space<vmem>>, vector<64x128xf32>
    %dot_general3A = arith.constant dense<0.000000e+00> : vector<64x128xf32>
    %dot_general3A_40 = tpu.matmul %convert_element_type3A_32, %add3A_25, %dot_general3A {dimension_numbers = #tpu.dot_dimension_numbers<[1], [0], [0], [1], [0, 0, 1, 1], [], []>, transpose_lhs_hint = false} : vector<64x1000xf32>, vector<1000x128xf32>, vector<64x128xf32> -> vector<64x128xf32>
    %add3A_41 = arith.addf %get3A_39, %dot_general3A_40 : vector<64x128xf32>
    %swap3A = arith.constant 0 : index
    %swap3A_42 = arith.constant 0 : index
    %swap3A_43 = vector.load %arg6[%swap3A, %swap3A_42] : memref<64x128xf32, #tpu.memory_space<vmem>>, vector<64x128xf32>
    tpu.vector_store %arg6[%swap3A, %swap3A_42], %add3A_41 {strides = array<i32>} : memref<64x128xf32, #tpu.memory_space<vmem>>, vector<64x128xf32>,
    %get3A_44 = arith.constant 0 : index
    %get3A_45 = arith.constant 0 : index
    %get3A_46 = vector.load %arg7[%get3A_44, %get3A_45] : memref<64x128xf32, #tpu.memory_space<vmem>>, vector<64x128xf32>
    %reduce_sum3A = arith.constant dense<0.000000e+00> : vector<64xf32>
    %reduce_sum3A_47 = vector.multi_reduction <add>, %convert_element_type3A_32, %reduce_sum3A [1] : vector<64x1000xf32> to vector<64xf32>
    %broadcast_in_dim3A = vector.shape_cast %reduce_sum3A_47 : vector<64xf32> to vector<64x1xf32>
    %broadcast_in_dim3A_48 = vector.shape_cast %broadcast_in_dim3A : vector<64x1xf32> to vector<64x1xf32>
    %broadcast_in_dim3A_49 = vector.broadcast %broadcast_in_dim3A_48 : vector<64x1xf32> to vector<64x128xf32>
    %add3A_50 = arith.addf %get3A_46, %broadcast_in_dim3A_49 : vector<64x128xf32>
    %swap3A_51 = arith.constant 0 : index
    %swap3A_52 = arith.constant 0 : index
    %swap3A_53 = vector.load %arg7[%swap3A_51, %swap3A_52] : memref<64x128xf32, #tpu.memory_space<vmem>>, vector<64x128xf32>
    tpu.vector_store %arg7[%swap3A_51, %swap3A_52], %add3A_50 {strides = array<i32>} : memref<64x128xf32, #tpu.memory_space<vmem>>, vector<64x128xf32>,
    %eq3A_54 = arith.constant 9 : i32
    %eq3A_55 = arith.cmpi eq, %arg0, %eq3A_54 : i32
    %convert_element_type3A_56 = arith.extui %eq3A_55 : i1 to i32
    %cond3A_57 = arith.constant 0 : i32
    %cond3A_58 = arith.cmpi ne, %convert_element_type3A_56, %cond3A_57 : i32
    scf.if %cond3A_58 {
      %get3A_59 = arith.constant 0 : index
      %get3A_60 = arith.constant 0 : index
      %get3A_61 = vector.load %arg6[%get3A_59, %get3A_60] : memref<64x128xf32, #tpu.memory_space<vmem>>, vector<64x128xf32>
      %get3A_62 = arith.constant 0 : index
      %get3A_63 = arith.constant 0 : index
      %get3A_64 = vector.load %arg7[%get3A_62, %get3A_63] : memref<64x128xf32, #tpu.memory_space<vmem>>, vector<64x128xf32>
      %jit3A_65 = arith.constant 1.000000e+00 : f32
      %max3A_66 = vector.broadcast %jit3A_65 : f32 to vector<64x128xf32>
      %max3A_67 = arith.maximumf %max3A_66, %get3A_64 : vector<64x128xf32>
      %div3A_68 = arith.divf %get3A_61, %max3A_67 : vector<64x128xf32>
      %swap3A_69 = arith.constant 0 : index
      %swap3A_70 = arith.constant 0 : index
      %swap3A_71 = vector.load %arg5[%swap3A_69, %swap3A_70] : memref<64x128xf32, #tpu.memory_space<vmem>>, vector<64x128xf32>
      tpu.vector_store %arg5[%swap3A_69, %swap3A_70], %div3A_68 {strides = array<i32>} : memref<64x128xf32, #tpu.memory_space<vmem>>, vector<64x128xf32>,
    } else {
    }
    return
  }
  func.func @transform_0(%arg0: i32) -> (i32, i32, i32) {
    %c0_i32 = arith.constant 0 : i32
    %c0_i32_0 = arith.constant 0 : i32
    %c0_i32_1 = arith.constant 0 : i32
    return %c0_i32, %arg0, %c0_i32_0 : i32, i32, i32
  }
  func.func @transform_1(%arg0: i32) -> (i32, i32, i32) {
    %c0_i32 = arith.constant 0 : i32
    %c0_i32_0 = arith.constant 0 : i32
    %c0_i32_1 = arith.constant 0 : i32
    return %c0_i32, %arg0, %c0_i32_0 : i32, i32, i32
  }
  func.func @transform_2(%arg0: i32) -> (i32, i32) {
    %c0_i32 = arith.constant 0 : i32
    %c0_i32_0 = arith.constant 0 : i32
    return %arg0, %c0_i32 : i32, i32
  }
  func.func @transform_3(%arg0: i32) -> (i32, i32, i32) {
    %c0_i32 = arith.constant 0 : i32
    %c0_i32_0 = arith.constant 0 : i32
    %c0_i32_1 = arith.constant 0 : i32
    return %arg0, %c0_i32, %c0_i32_0 : i32, i32, i32
  }
  func.func @transform_4(%arg0: i32) -> (i32, i32) {
    %c0_i32 = arith.constant 0 : i32
    %c0_i32_0 = arith.constant 0 : i32
    %c0_i32_1 = arith.constant 0 : i32
    return %c0_i32, %c0_i32_0 : i32, i32
  }
}

</mosaic_0001>

<sc_bundles>
// kernel: kernel.11.cloned.1.call-start
scs
__scs_entry_jumppad:
0x0: {  	(pc) =	sbr.rel $0x88, $3  }
0x1: {  	(tag) =	ssettag $0x0;
	lr =	simm.s32 $0x1  }
0x2: {  	[smem:$0x3F98] =	sst lr;
	_ =	strace $0xD0000000  }
0x3: {  	_ = 	snop  }
0x4: {  	_ = 	snop  }
0x5: {  	_ = 	snop  }
0x6: {  	_ = 	snop  }
0x7: {  	_ = 	snop  }
__scs_overlays_trampoline_lowered:
0x8: {  	[smem:$0x3FA7] =	sst s0  }
0x9: {  	[smem:$0x3FA8] =	sst s1  }
0xa: {  	[smem:$0x3FA9] =	sst s2  }
0xb: {  	[smem:$0x3FAA] =	sst s3  }
0xc: {  	[smem:$0x3FAB] =	sst s4  }
0xd: {  	[smem:$0x3FAC] =	sst s5  }
0xe: {  	[smem:$0x3FAD] =	sst s6  }
0xf: {  	[smem:$0x3FAE] =	sst s7  }
0x10: {  	[smem:$0x3FAF] =	sst s8  }
0x11: {  	[smem:$0x3FB0] =	sst s9;
	s0 =	simm.s32 @!p0 $0x0  }
0x12: {  	s1 =	sld [smem:$0x3F96];
	s0 =	simm.s32 @p0 $0x1  }
0x13: {  	[smem:$0x3FB1] =	sst s0;
	s0 =	simm.s32 @!p1 $0x0  }
0x14: {  	s2 =	sld [smem:$0x3F95];
	s0 =	simm.s32 @p1 $0x1  }
0x15: {  	[smem:$0x3FB2] =	sst s0;
	s0 =	simm.s32 @!p2 $0x0  }
0x16: {  	s3 =	sld [smem:$0x3FDB];
	s0 =	simm.s32 @p2 $0x1  }
0x17: {  	s4 =	simm.s32 $0x1BF5;
	[smem:$0x3FB4] =	sst s0  }
0x18: {  	s0 =	sld [smem:$0x3F97];
	_ =	swait.ge [sflag:s4], $0x0  }
0x19: {  	s7 =	sld [smem:$0x3F98]  }
0x1a: {  	s8 =	sadd.s32 $0xFFFFE003, lr  }
0x1b: {  	s9 =	sadd.s32 $0xFFFFFEF7, lr;
	s5 =	simm.s32 $0xFFFFFFFF;
	p2 =	slt.u32 s8, $0xFFFFF086  }
0x1c: {  	p1 =	slt.u32 s9, $0xF7A;
	s5 =	simm.s32 @!p2 $0x0  }
0x1d: {  	s5 =	simm.s32 @p1 $0x1;
	p0 =	seq.s32 s7, s2  }
0x1e: {  	s7 =	smul.u32 @!p0 $0xF7A, s2;
	p2 =	seq.s32 @!p0 s5, $0x0  }
0x1f: {  	s9 =	smul.u32 $0xF7A, s1;
	s8 =	simm.s32 @!p0 $0x1BF5;
	p2 =	por !p2, p0  }
0x20: {  	[sflag:s8] =	ssyncset.s32 @!p0 $0xFFFFF086;
	s6 =	sadd.s32 @!p0 s3, s7;
	s7 =	simm.s32 @!p0 $0x108  }
0x21: {  	s3 =	sadd.s32 s3, s9;
	s6 =	sadd.s32 @!p0 $0x88, s6;
	s7 =	simm.s32 @p2 $0x1082  }
0x22: {  	[simem:s7], [sflag:s8] =	dma.local @!p0 [hbm:s6], $0xF7A  }
0x23: {  	s9 =	sor.u32 $0xD0000000, s2;
	s6 =	simm.s32 $0x108;
	_ =	swait.ge @!p0 [sflag:s8], $0x0  }
0x24: {  	s3 =	sadd.s32 $0x88, s3;
	s6 =	simm.s32 @!p1 $0x1082;
	[sflag:s4] =	ssyncset.s32 $0xFFFFF086  }
0x25: {  	[simem:s6], [sflag:s4] =	dma.local [hbm:s3], $0xF7A  }
0x26: {  	[smem:$0x3F98] =	sst s1;
	(tag) =	ssettag s2;
	_ =	strace s9  }
0x27: {  	s1 =	sld [smem:$0x3FA8]  }
0x28: {  	s2 =	sld [smem:$0x3FA9]  }
0x29: {  	s4 =	sld [smem:$0x3FAB]  }
0x2a: {  	p0 =	seq.s32 s5, $0x0;
	s5 =	sld [smem:$0x3FAC]  }
0x2b: {  	s6 =	sld [smem:$0x3FAD]  }
0x2c: {  	s7 =	sld [smem:$0x3FAE]  }
0x2d: {  	s3 =	simm.s32 $0x108;
	s8 =	sld [smem:$0x3FAF]  }
0x2e: {  	s3 =	simm.s32 @!p0 $0x1082;
	s9 =	sld [smem:$0x3FB0]  }
0x2f: {  	lr =	sadd.s32 s0, s3;
	s0 =	sld [smem:$0x3FA7]  }
0x30: {  	s3 =	sld [smem:$0x3FAA]  }
0x31: {  	[smem:$0x3FB3] =	sst s10  }
0x32: {  	s10 =	sld [smem:$0x3FB1];
	_ =	sdelay $0x3  }
0x33: {  	p0 =	seq.s32 s10, $0x1;
	s10 =	sld [smem:$0x3FB3];
	_ =	sdelay $0x3  }
0x34: {  	[smem:$0x3FB3] =	sst s10  }
0x35: {  	s10 =	sld [smem:$0x3FB2];
	_ =	sdelay $0x3  }
0x36: {  	p1 =	seq.s32 s10, $0x1;
	s10 =	sld [smem:$0x3FB3];
	_ =	sdelay $0x3  }
0x37: {  	[smem:$0x3FB3] =	sst s10  }
0x38: {  	s10 =	sld [smem:$0x3FB4]  }
0x39: {  	_ = 	snop;
	(pc) =	sbr.ind lr, $3  }
0x3a: {  	_ = 	snop  }
0x3b: {  	_ = 	snop  }
0x3c: {  	p2 =	seq.s32 s10, $0x1;
	s10 =	sld [smem:$0x3FB3]  }
0x3d: {  	_ =	shalt  }
0x3e: {  	_ =	shalt  }
0x3f: {  	_ =	shalt  }
0x40: {  	_ =	shalt  }
0x41: {  	_ =	shalt  }
0x42: {  	_ =	shalt  }
0x43: {  	_ =	shalt  }
0x44: {  	_ =	shalt  }
0x45: {  	_ =	shalt  }
0x46: {  	_ =	shalt  }
0x47: {  	_ =	shalt  }
0x48: {  	_ =	shalt  }
0x49: {  	_ =	shalt  }
0x4a: {  	_ =	shalt  }
0x4b: {  	_ =	shalt  }
0x4c: {  	_ =	shalt  }
0x4d: {  	_ =	shalt  }
0x4e: {  	_ =	shalt  }
0x4f: {  	_ =	shalt  }
0x50: {  	_ =	shalt  }
0x51: {  	_ =	shalt  }
0x52: {  	_ =	shalt  }
0x53: {  	_ =	shalt  }
0x54: {  	_ =	shalt  }
0x55: {  	_ =	shalt  }
0x56: {  	_ =	shalt  }
0x57: {  	_ =	shalt  }
0x58: {  	_ =	shalt  }
0x59: {  	_ =	shalt  }
0x5a: {  	_ =	shalt  }
0x5b: {  	_ =	shalt  }
0x5c: {  	_ =	shalt  }
0x5d: {  	_ =	shalt  }
0x5e: {  	_ =	shalt  }
0x5f: {  	_ =	shalt  }
0x60: {  	_ =	shalt  }
0x61: {  	_ =	shalt  }
0x62: {  	_ =	shalt  }
0x63: {  	_ =	shalt  }
0x64: {  	_ =	shalt  }
0x65: {  	_ =	shalt  }
0x66: {  	_ =	shalt  }
0x67: {  	_ =	shalt  }
0x68: {  	_ =	shalt  }
0x69: {  	_ =	shalt  }
0x6a: {  	_ =	shalt  }
0x6b: {  	_ =	shalt  }
0x6c: {  	_ =	shalt  }
0x6d: {  	_ =	shalt  }
0x6e: {  	_ =	shalt  }
0x6f: {  	_ =	shalt  }
0x70: {  	_ =	shalt  }
0x71: {  	_ =	shalt  }
0x72: {  	_ =	shalt  }
0x73: {  	_ =	shalt  }
0x74: {  	_ =	shalt  }
0x75: {  	_ =	shalt  }
0x76: {  	_ =	shalt  }
0x77: {  	_ =	shalt  }
0x78: {  	_ =	shalt  }
0x79: {  	_ =	shalt  }
0x7a: {  	_ =	shalt  }
0x7b: {  	_ =	shalt  }
0x7c: {  	_ =	shalt  }
0x7d: {  	_ =	shalt  }
0x7e: {  	_ =	shalt  }
0x7f: {  	_ =	shalt  }
0x80: {  	_ =	shalt  }
0x81: {  	_ =	shalt  }
0x82: {  	_ =	shalt  }
0x83: {  	_ =	shalt  }
0x84: {  	_ =	shalt  }
0x85: {  	_ =	shalt  }
0x86: {  	_ =	shalt  }
0x87: {  	_ =	shalt  }
.Lfunc_end0:
.L_simem_size_0:
called_computation.1_lowered:
.L_overlay_start_0:
0x88: {  	s2 =	sld [smem:$0x3FD9]  }
0x89: {  	s3 =	sld [smem:$0x3FFE];
	_ =	sdelay $0x1  }
0x8a: {  	s1 =	srdreg.scid  }
0x8b: {  	s0 =	sand.u32 $0x1, s1  }
0x8c: {  	s17 =	sshll.u32 s0, $0xA;
	s2 =	sadd.s32 s3, s2  }
0x8d: {  	s2 =	sadd.s32 s2, s17  }
0x8e: {  	[smem:$0x3FBF] =	sst s2  }
0x8f: {  	_ = 	snop  }
0x90: {  	(tm) =	ssettm $0x1  }
0x91: {  	s18 =	sld [smem:$0x3FFB];
	_ =	sdelay $0x3  }
0x92: {  	_ =	strace s18  }
0x93: {  	s2 =	sld [smem:$0x3FFC];
	_ =	sdelay $0x3  }
0x94: {  	_ =	strace s2  }
0x95: {  	s2 =	sld [smem:$0x3FFD];
	_ =	sdelay $0x3  }
0x96: {  	_ =	strace s2  }
0x97: {  	_ =	strace $0x8FFFFFFF  }
0x98: {  	s19 =	sld [smem:$0x3FDB];
	_ =	sdelay $0x1  }
0x99: {  	s20 =	simm.s32 $_scs_section_size  }
0x9a: {  	s4 =	simm.s32 $_size__tile_overlayer_lowered;
	s5 =	simm.s32 $_tile_overlayer_lowered  }
0x9b: {  	s6 =	simm.s32 $0x1BFF;
	s21 =	sshll.u32 s5, $0x1;
	s3 =	sadd.s32 s20, s19  }
0x9c: {  	s22 =	simm.s32 $0x0;
	s4 =	sshll.u32 s4, $0x1;
	s5 =	sadd.s32 s21, s3  }
0x9d: {  	[timem:s22], [sflag:s6] =	dma.local [hbm:s5], s4  }
0x9e: {  	_ =	swait.ge [sflag:s6], s4  }
0x9f: {  	s4 =	ssub.s32 $0x0, s4;
	[sflag:s6] =	ssyncset.done $0x0  }
0xa0: {  	[sflag:s6] =	ssyncadd.s32 s4;
	_ =	sdelay $0x1  }
0xa1: {  	s23 =	simm.s32 $0x1B8B  }
0xa2: {  	_ =	swait.ge [sflag:s23], $0x1  }
0xa3: {  	[sflag:s23] =	ssyncset.done $0x0  }
0xa4: {  	[sflag:s23] =	ssyncadd.s32 $0xFFFFFFFF  }
0xa5: {  	s4 =	sld [smem:$0x0]  }
0xa6: {  	s5 =	sand.u32 $0xFFFFFFFE, s1  }
0xa7: {  	p0 =	sne.s32 s1, s5  }
0xa8: {  	s5 =	sshll.u32 @p0 s5, $0xE  }
0xa9: {  	s5 =	sadd.s32 @p0 $0x11B8D, s5;
	s6 =	sshll.u32 @p0 s4, $0x11  }
0xaa: {  	s5 =	sor.u32 @p0 s6, s5  }
0xab: {  	[sflag:s5] =	ssyncadd.remote.s32 @p0 $0x1;
	_ =	sdelay $0x1  }
0xac: {  	s5 =	simm.s32 @p0 $0x1B8D  }
0xad: {  	_ =	swait.eq @p0 [sflag:s5], $0x1  }
0xae: {  	[sflag:s5] =	ssyncadd.s32 @p0 $0xFFFFFFFF  }
0xaf: {  	s6 =	sshll.u32 @!p0 s1, $0xE  }
0xb0: {  	s6 =	sor.u32 @!p0 $0x4000, s6;
	s5 =	simm.s32 @!p0 $0x1B8D  }
0xb1: {  	s4 =	sshll.u32 @!p0 s4, $0x11;
	s6 =	sadd.s32 @!p0 $0x11B8D, s6;
	_ =	swait.eq @!p0 [sflag:s5], $0x1  }
0xb2: {  	s4 =	sor.u32 @!p0 s4, s6;
	[sflag:s5] =	ssyncadd.s32 @!p0 $0xFFFFFFFF  }
0xb3: {  	s25 =	simm.s32 $0x1B8E;
	s24 =	sld [smem:$0x3FFE];
	[sflag:s4] =	ssyncadd.remote.s32 @!p0 $0x1  }
0xb4: {  	s26 =	simm.s32 $execute0_lowered;
	[smem:$0x3FD2] =	sst s25  }
0xb5: {  	s5 =	sshll.u32 s26, $0x1;
	_ =	strace $0x80000049;
	[dreg:$0x1] =	wrdreg $0xFFFFFFFF  }
0xb6: {  	s28 =	simm.s32 $_size_execute0_lowered;
	s3 =	sadd.s32 s3, s5;
	[dreg:$0x0] =	wrdreg $0x0  }
0xb7: {  	s5 =	sshll.u32 s28, $0x1;
	[dreg:$0x2] =	wrdreg s3  }
0xb8: {  	[dreg:$0x3] =	wrdreg s5  }
0xb9: {  	[dreg:$0x4] =	wrdreg $0xC0  }
0xba: {  	_ =	task [dreg:s22], $0x5FFFF  }
0xbb: {  	[dreg:$0x1] =	wrdreg $0xFFFFFFFF  }
0xbc: {  	[dreg:$0x0] =	wrdreg $0x60  }
0xbd: {  	[dreg:$0x2] =	wrdreg s24  }
0xbe: {  	[dreg:$0x3] =	wrdreg $0x9E200  }
0xbf: {  	[dreg:$0x4] =	wrdreg $0xA  }
0xc0: {  	_ =	task.clear_ibuf [dreg:s22], $0x5FFFF;
	_ =	strace $0x90000049  }
0xc1: {  	s29 =	simm.s32 $0xA;
	_ =	strace $0x8000004B  }
0xc2: {  	_ =	swait.ge [sflag:s29], $0x1  }
0xc3: {  	[sflag:s29] =	ssyncadd.s32 $0xFFFFFFFF  }
0xc4: {  	_ =	strace $0x9000004B  }
0xc5: {  	_ =	sfence  }
0xc6: {  	s30 =	sld [smem:$0x0];
	_ =	sdelay $0x2  }
0xc7: {  	s31 =	sshll.u32 s1, $0xD;
	s1 =	sshrl.u32 s1, $0x2  }
0xc8: {  	s4 =	sand.u32 $0x4000, s31;
	s1 =	sadd.s32 s1, s30  }
0xc9: {  	s0 =	sor.u32 s4, s0;
	s1 =	sshll.u32 s1, $0x11  }
0xca: {  	s0 =	sor.u32 s1, s0  }
0xcb: {  	s0 =	sadd.s32 $0x8F2B, s0  }
0xcc: {  	[sflag:s0] =	ssyncadd.remote.s32 $0x1  }
0xcd: {  	_ =	sfence.sel $0xFFFF  }
0xce: {  	[dreg:$0x0] =	wrdreg $0xFFFFFFFF;
	(pc) =	sbr.abs _section_cstart, $3  }
0xcf: {  	[dreg:$0x1] =	wrdreg $0xFFFFFFFF  }
0xd0: {  	_ =	task.clear_ibuf [dreg:s22], $0x2FFFF;
	_ =	strace $0x9FFFFFFF  }
0xd1: {  	(tm) =	ssettm $0x7FFFFFFF  }
tec
execute0_lowered:
.L_overlay_start_1:
0x0: {  	(tag) =	ssettag $0x1  }
0x1: {  	s0 =	srdreg.scid;
	s5 =	rddreg [dreg:$0x0]  }
0x2: {  	s1 =	rddreg [dreg:$0x1];
	s17 =	stileid.u32  }
0x3: {  	s2 =	simm.s32 $0x0;
	s11 =	simm.s32 $0x50;
	s12 =	simm.s32 $0x4E20  }
0x4: {  	s13 =	simm.s32 $0x7620;
	s14 =	simm.s32 $0x1;
	s15 =	simm.s32 $0x2  }
0x5: {  	s16 =	simm.s32 $0x4DD0;
	s4 =	sand.u32 $0x1, s0;
	s0 =	rddreg [dreg:$0x2]  }
0x6: {  	[smem:$0x7FF] =	sst s2;
	s10 =	smul.u32 $0x13800, s17;
	s21 =	sadd.s32 $0x138000, s1  }
0x7: {  	p0 =	sne.s32 s17, $0x0;
	p1 =	sne.s32 s17, $0xF;
	s22 =	sshll.u32 s17, $0x6  }
0x8: {  	s3 =	sshll.u32 s4, $0x4;
	_ =	strace $0x8000004A;
	s7 =	smul.u32 $0x27100, s4  }
0x9: {  	s8 =	ssub.s32 $0x2, s4;
	s4 =	sadd.s32 $0x4C000, s5;
	s21 =	sshrl.u32 @!p1 s21, $0x3  }
0xa: {  	s3 =	sor.u32 s17, s3;
	s9 =	sshrl.u32 s8, $0x1;
	s18 =	sshrl.u32 s10, $0x3  }
0xb: {  	s19 =	sadd.s32 s10, s1;
	s10 =	simm.s32 $0x2710;
	s6 =	smul.u32 $0x4E2, s3  }
0xc: {  	s3 =	sadd.s32 $0x24E00, s5;
	s7 =	sadd.s32 s7, s5;
	s8 =	ssub.s32 s8, s9  }
0xd: {  	s9 =	simm.s32 $0x3;
	s19 =	sshrl.u32 s19, $0x3;
	s20 =	sadd.s32 $0x73200, s7  }
0xe: {  	s7 =	smax.u32 s8, $0x1;
	s8 =	sshrl.u32 @!p0 s1, $0x3;
	s6 =	sadd.s32 s6, s5  }
0xf: {  	s17 =	sadd.s32 s18, s20;
	s18 =	sor.u32 $0x1C03, s22;
	s20 =	sadd.s32 @!p1 $0x27000, s20  }
0x10: {  	s22 =	simm.s32 $0x0;
	s5 =	sadd.s32 $0xC200, s6;
	s6 =	sadd.s32 $0x2400, s6  }
.LBB2_1:
0x11: {  	s23 =	simm.s32 @!p0 $0x1C03  }
0x12: {  	[spmem:s8], [sflag:s23] =	dma.local @!p0 [hbm:s4], $0x27100  }
0x13: {  	s23 =	simm.s32 @!p0 $0x3  }
0x14: {  	_ =	swait.ge @!p0 [sflag:s23], $0x27100  }
0x15: {  	[sflag:s23] =	ssyncset.done @!p0 $0x0  }
0x16: {  	[sflag:s23] =	ssyncadd.s32 @!p0 $0xFFFD8F00  }
0x17: {  	[tilespmem:s2], [sflag:$0x3] =	stream.linear.gather [hbm4b:s5+s2], $0x2710, $0x38;
	[tilespmem:$0x1D6A0] =	vst v63  }
0x18: {  	_ =	swait.ge [sflag:s9], $0x2710  }
0x19: {  	[sflag:s9] =	ssyncset.done $0x0  }
0x1a: {  	[sflag:s9] =	ssyncadd.s32 $0xFFFFD8F0  }
0x1b: {  	[tilespmem:s10], [sflag:$0x3] =	stream.linear.gather [hbm4b:s6+s2], $0x2710, $0x38;
	[tilespmem:$0x1D6A0] =	vst v63  }
0x1c: {  	_ =	swait.ge [sflag:s9], $0x2710  }
0x1d: {  	[sflag:s9] =	ssyncset.done $0x0  }
0x1e: {  	[sflag:s9] =	ssyncadd.s32 $0xFFFFD8F0  }
0x1f: {  	[bflag:$0x0] =	sbarrier.arrive $0xFFFF  }
0x20: {  	[tilespmem:s12], [sflag:$0x1] =	stream.indirect.gather [hbm4b:s3+s11], $0x80, s2, s11, $0xb8;
	[tilespmem:$0x1D6A0] =	vst v63  }
0x21: {  	s28 =	simm.s32 $0x50  }
0x22: {  	[tilespmem:s13], [sflag:$0x2] =	stream.indirect.gather [hbm4b:s3+s11], $0x80, s28, s11, $0xb8;
	[tilespmem:$0x1D6A0] =	vst v63  }
0x23: {  	_ =	swait.ge [sflag:s14], $0x2800  }
0x24: {  	[sflag:s14] =	ssyncset.done $0x0  }
0x25: {  	s29 =	simm.s32 $0x2710;
	[sflag:s14] =	ssyncadd.s32 $0xFFFFD800  }
0x26: {  	[spmem:s1] =	stream.indirect.scatter.add.f32 [tilespmem:s12], [sflag:$0x3], $0x80, s29, s11, $0xb8;
	[tilespmem:$0x1D6A0] =	vst v63  }
0x27: {  	_ =	swait.ge [sflag:s9], $0x2800  }
0x28: {  	[sflag:s9] =	ssyncset.done $0x0  }
0x29: {  	s30 =	simm.s32 $0xA0;
	[sflag:s9] =	ssyncadd.s32 $0xFFFFD800  }
0x2a: {  	[tilespmem:s12], [sflag:$0x1] =	stream.indirect.gather [hbm4b:s3+s11], $0x80, s30, s11, $0xb8;
	[tilespmem:$0x1D6A0] =	vst v63  }
0x2b: {  	_ =	swait.ge [sflag:s15], $0x2800  }
0x2c: {  	[sflag:s15] =	ssyncset.done $0x0  }
0x2d: {  	s31 =	simm.s32 $0x2760;
	[sflag:s15] =	ssyncadd.s32 $0xFFFFD800  }
0x2e: {  	[spmem:s1] =	stream.indirect.scatter.add.f32 [tilespmem:s13], [sflag:$0x3], $0x80, s31, s11, $0xb8;
	[tilespmem:$0x1D6A0] =	vst v63  }
0x2f: {  	_ =	swait.ge [sflag:s9], $0x2800  }
0x30: {  	s24 =	simm.s32 $0x500;
	s23 =	simm.s32 $0xA0;
	[sflag:s9] =	ssyncset.done $0x0  }
.LBB2_2:
0x31: {  	s25 =	sadd.s32 $0x50, s23  }
0x32: {  	[sflag:s9] =	ssyncadd.s32 $0xFFFFD800;
	s26 =	smov.u32 s24;
	s28 =	sadd.s32 $0x280, s24  }
0x33: {  	[tilespmem:s13], [sflag:$0x2] =	stream.indirect.gather [hbm4b:s3+s11], $0x80, s25, s11, $0xb8;
	[tilespmem:$0x1D6A0] =	vst v63  }
0x34: {  	p2 =	sne.s32 s24, $0x9880;
	_ =	swait.ge [sflag:s14], $0x2800  }
0x35: {  	[sflag:s14] =	ssyncset.done $0x0  }
0x36: {  	s24 =	sadd.s32 $0x2710, s23;
	[sflag:s14] =	ssyncadd.s32 $0xFFFFD800  }
0x37: {  	[spmem:s1] =	stream.indirect.scatter.add.f32 [tilespmem:s12], [sflag:$0x3], $0x80, s24, s11, $0xb8;
	[tilespmem:$0x1D6A0] =	vst v63  }
0x38: {  	_ =	swait.ge [sflag:s9], $0x2800  }
0x39: {  	[sflag:s9] =	ssyncset.done $0x0  }
0x3a: {  	s24 =	sadd.s32 $0xA0, s23;
	[sflag:s9] =	ssyncadd.s32 $0xFFFFD800  }
0x3b: {  	[tilespmem:s12], [sflag:$0x1] =	stream.indirect.gather [hbm4b:s3+s11], $0x80, s24, s11, $0xb8;
	[tilespmem:$0x1D6A0] =	vst v63  }
0x3c: {  	_ =	swait.ge [sflag:s15], $0x2800  }
.Ltmp0:
0x3d: {  	[sflag:s15] =	ssyncset.done $0x0;
	(pc) =	sbr.rel @p2 .LBB2_2-.Ltmp0, $4  }
0x3e: {  	s23 =	sadd.s32 $0x2760, s23;
	[sflag:s15] =	ssyncadd.s32 $0xFFFFD800  }
0x3f: {  	[spmem:s1] =	stream.indirect.scatter.add.f32 [tilespmem:s13], [sflag:$0x3], $0x80, s23, s11, $0xb8;
	[tilespmem:$0x1D6A0] =	vst v63  }
0x40: {  	_ =	swait.ge [sflag:s9], $0x2800  }
0x41: {  	s24 =	smov.u32 s28;
	s23 =	sshra.s32 s26, $0x2;
	[sflag:s9] =	ssyncset.done $0x0  }
0x42: {  	s24 =	sadd.s32 $0x50, s23;
	[sflag:s9] =	ssyncadd.s32 $0xFFFFD800  }
0x43: {  	[tilespmem:s13], [sflag:$0x2] =	stream.indirect.gather [hbm4b:s3+s11], $0x80, s24, s11, $0xb8;
	[tilespmem:$0x1D6A0] =	vst v63  }
0x44: {  	_ =	swait.ge [sflag:s14], $0x2800  }
0x45: {  	[sflag:s14] =	ssyncset.done $0x0  }
0x46: {  	s29 =	sadd.s32 $0x2710, s23;
	[sflag:s14] =	ssyncadd.s32 $0xFFFFD800  }
0x47: {  	[spmem:s1] =	stream.indirect.scatter.add.f32 [tilespmem:s12], [sflag:$0x3], $0x80, s29, s11, $0xb8;
	[tilespmem:$0x1D6A0] =	vst v63  }
0x48: {  	_ =	swait.ge [sflag:s9], $0x2800  }
0x49: {  	[sflag:s9] =	ssyncset.done $0x0  }
0x4a: {  	s30 =	sadd.s32 $0xA0, s23;
	[sflag:s9] =	ssyncadd.s32 $0xFFFFD800  }
0x4b: {  	[tilespmem:s12], [sflag:$0x1] =	stream.indirect.gather [hbm4b:s3+s11], $0x80, s30, s11, $0xb8;
	[tilespmem:$0x1D6A0] =	vst v63  }
0x4c: {  	_ =	swait.ge [sflag:s15], $0x2800  }
0x4d: {  	[sflag:s15] =	ssyncset.done $0x0  }
0x4e: {  	s31 =	sadd.s32 $0x2760, s23;
	[sflag:s15] =	ssyncadd.s32 $0xFFFFD800  }
0x4f: {  	[spmem:s1] =	stream.indirect.scatter.add.f32 [tilespmem:s13], [sflag:$0x3], $0x80, s31, s11, $0xb8;
	[tilespmem:$0x1D6A0] =	vst v63  }
0x50: {  	_ =	swait.ge [sflag:s9], $0x2800  }
0x51: {  	[sflag:s9] =	ssyncset.done $0x0  }
0x52: {  	[sflag:s9] =	ssyncadd.s32 $0xFFFFD800  }
0x53: {  	_ =	swait.ge [sflag:s14], $0x2800  }
0x54: {  	[sflag:s14] =	ssyncset.done $0x0  }
0x55: {  	[sflag:s14] =	ssyncadd.s32 $0xFFFFD800  }
0x56: {  	[spmem:s1] =	stream.indirect.scatter.add.f32 [tilespmem:s12], [sflag:$0x3], $0x80, s16, s11, $0xb8;
	[tilespmem:$0x1D6A0] =	vst v63  }
0x57: {  	_ =	swait.ge [sflag:s9], $0x2800  }
0x58: {  	[sflag:s9] =	ssyncset.done $0x0  }
0x59: {  	[sflag:s9] =	ssyncadd.s32 $0xFFFFD800  }
0x5a: {  	[bflag:$0x0] =	sbarrier.arrive $0xFFFF  }
0x5b: {  	[hbm:s17], [sflag:s18] =	dma.local [spmem:s19], $0x2700  }
0x5c: {  	s22 =	sadd.s32 $0x1, s22;
	_ =	swait.ge [sflag:s9], $0x2700  }
0x5d: {  	p2 =	sne.s32 s22, s7;
	[sflag:s9] =	ssyncset.done $0x0  }
.Ltmp1:
0x5e: {  	s23 =	simm.s32 @!p1 $0x3;
	[sflag:s9] =	ssyncadd.s32 $0xFFFFD900;
	(pc) =	sbr.rel @p2 .LBB2_1-.Ltmp1, $4  }
0x5f: {  	[hbm:s20], [sflag:s18] =	dma.local @!p1 [spmem:s21], $0x100  }
0x60: {  	_ =	swait.ge @!p1 [sflag:s23], $0x100  }
0x61: {  	[sflag:s23] =	ssyncset.done @!p1 $0x0  }
0x62: {  	[sflag:s23] =	ssyncadd.s32 @!p1 $0xFFFFFF00  }
0x63: {  	_ =	sfence.sel $0x180000  }
0x64: {  	[bflag:$0x0] =	sbarrier.arrive $0xFFFF  }
0x65: {  	_ =	strace $0x9000004A  }
0x66: {  	s0 =	sadd.s32 @!p0 $0x100000, s0;
	[bflag:$0x2] =	sbarrier.arrive $0xFFFF  }
0x67: {  	[sflag:s0] =	ssyncadd.tile.s32 @!p0 $0x1;
	_ =	shalt  }
.Lfunc_end2:
_tile_overlayer_lowered:
.L_overlay_start_2:
0x68: {  	(tag) =	ssettag $0x2  }
0x69: {  	s0 =	rddreg [dreg:$0x0];
	s2 =	stileid.u32  }
0x6a: {  	s1 =	rddreg [dreg:$0x1];
	p0 =	sne.s32 s2, $0x0  }
0x6b: {  	s3 =	rddreg [dreg:$0x2];
	[bflag:$0x3] =	sbarrier.arrive $0xFFFF;
	s2 =	simm.s32 @!p0 $0x1C03  }
0x6c: {  	[timem:s3], [sflag:s2] =	dma.local @!p0 [hbm:s0], s1  }
0x6d: {  	s0 =	simm.s32 @!p0 $0x3  }
0x6e: {  	_ =	swait.ge @!p0 [sflag:s0], s1  }
0x6f: {  	s1 =	ssub.s32 @!p0 $0x0, s1;
	[sflag:s0] =	ssyncset.done @!p0 $0x0  }
0x70: {  	[sflag:s0] =	ssyncadd.s32 @!p0 s1  }
0x71: {  	[bflag:$0x3] =	sbarrier.arrive $0xFFFF  }
0x72: {  	_ =	shalt  }

// kernel: kernel.14.cloned.1.call-start
scs
__scs_entry_jumppad:
0x0: {  	(pc) =	sbr.rel $0x88, $3  }
0x1: {  	(tag) =	ssettag $0x0;
	lr =	simm.s32 $0x1  }
0x2: {  	[smem:$0x3F98] =	sst lr;
	_ =	strace $0xD0000000  }
0x3: {  	_ = 	snop  }
0x4: {  	_ = 	snop  }
0x5: {  	_ = 	snop  }
0x6: {  	_ = 	snop  }
0x7: {  	_ = 	snop  }
__scs_overlays_trampoline_lowered:
0x8: {  	[smem:$0x3FA7] =	sst s0  }
0x9: {  	[smem:$0x3FA8] =	sst s1  }
0xa: {  	[smem:$0x3FA9] =	sst s2  }
0xb: {  	[smem:$0x3FAA] =	sst s3  }
0xc: {  	[smem:$0x3FAB] =	sst s4  }
0xd: {  	[smem:$0x3FAC] =	sst s5  }
0xe: {  	[smem:$0x3FAD] =	sst s6  }
0xf: {  	[smem:$0x3FAE] =	sst s7  }
0x10: {  	[smem:$0x3FAF] =	sst s8  }
0x11: {  	[smem:$0x3FB0] =	sst s9;
	s0 =	simm.s32 @!p0 $0x0  }
0x12: {  	s1 =	sld [smem:$0x3F96];
	s0 =	simm.s32 @p0 $0x1  }
0x13: {  	[smem:$0x3FB1] =	sst s0;
	s0 =	simm.s32 @!p1 $0x0  }
0x14: {  	s2 =	sld [smem:$0x3F95];
	s0 =	simm.s32 @p1 $0x1  }
0x15: {  	[smem:$0x3FB2] =	sst s0;
	s0 =	simm.s32 @!p2 $0x0  }
0x16: {  	s3 =	sld [smem:$0x3FDB];
	s0 =	simm.s32 @p2 $0x1  }
0x17: {  	s4 =	simm.s32 $0x1BF5;
	[smem:$0x3FB4] =	sst s0  }
0x18: {  	s0 =	sld [smem:$0x3F97];
	_ =	swait.ge [sflag:s4], $0x0  }
0x19: {  	s7 =	sld [smem:$0x3F98]  }
0x1a: {  	s8 =	sadd.s32 $0xFFFFE003, lr  }
0x1b: {  	s9 =	sadd.s32 $0xFFFFFEF7, lr;
	s5 =	simm.s32 $0xFFFFFFFF;
	p2 =	slt.u32 s8, $0xFFFFF086  }
0x1c: {  	p1 =	slt.u32 s9, $0xF7A;
	s5 =	simm.s32 @!p2 $0x0  }
0x1d: {  	s5 =	simm.s32 @p1 $0x1;
	p0 =	seq.s32 s7, s2  }
0x1e: {  	s7 =	smul.u32 @!p0 $0xF7A, s2;
	p2 =	seq.s32 @!p0 s5, $0x0  }
0x1f: {  	s9 =	smul.u32 $0xF7A, s1;
	s8 =	simm.s32 @!p0 $0x1BF5;
	p2 =	por !p2, p0  }
0x20: {  	[sflag:s8] =	ssyncset.s32 @!p0 $0xFFFFF086;
	s6 =	sadd.s32 @!p0 s3, s7;
	s7 =	simm.s32 @!p0 $0x108  }
0x21: {  	s3 =	sadd.s32 s3, s9;
	s6 =	sadd.s32 @!p0 $0x88, s6;
	s7 =	simm.s32 @p2 $0x1082  }
0x22: {  	[simem:s7], [sflag:s8] =	dma.local @!p0 [hbm:s6], $0xF7A  }
0x23: {  	s9 =	sor.u32 $0xD0000000, s2;
	s6 =	simm.s32 $0x108;
	_ =	swait.ge @!p0 [sflag:s8], $0x0  }
0x24: {  	s3 =	sadd.s32 $0x88, s3;
	s6 =	simm.s32 @!p1 $0x1082;
	[sflag:s4] =	ssyncset.s32 $0xFFFFF086  }
0x25: {  	[simem:s6], [sflag:s4] =	dma.local [hbm:s3], $0xF7A  }
0x26: {  	[smem:$0x3F98] =	sst s1;
	(tag) =	ssettag s2;
	_ =	strace s9  }
0x27: {  	s1 =	sld [smem:$0x3FA8]  }
0x28: {  	s2 =	sld [smem:$0x3FA9]  }
0x29: {  	s4 =	sld [smem:$0x3FAB]  }
0x2a: {  	p0 =	seq.s32 s5, $0x0;
	s5 =	sld [smem:$0x3FAC]  }
0x2b: {  	s6 =	sld [smem:$0x3FAD]  }
0x2c: {  	s7 =	sld [smem:$0x3FAE]  }
0x2d: {  	s3 =	simm.s32 $0x108;
	s8 =	sld [smem:$0x3FAF]  }
0x2e: {  	s3 =	simm.s32 @!p0 $0x1082;
	s9 =	sld [smem:$0x3FB0]  }
0x2f: {  	lr =	sadd.s32 s0, s3;
	s0 =	sld [smem:$0x3FA7]  }
0x30: {  	s3 =	sld [smem:$0x3FAA]  }
0x31: {  	[smem:$0x3FB3] =	sst s10  }
0x32: {  	s10 =	sld [smem:$0x3FB1];
	_ =	sdelay $0x3  }
0x33: {  	p0 =	seq.s32 s10, $0x1;
	s10 =	sld [smem:$0x3FB3];
	_ =	sdelay $0x3  }
0x34: {  	[smem:$0x3FB3] =	sst s10  }
0x35: {  	s10 =	sld [smem:$0x3FB2];
	_ =	sdelay $0x3  }
0x36: {  	p1 =	seq.s32 s10, $0x1;
	s10 =	sld [smem:$0x3FB3];
	_ =	sdelay $0x3  }
0x37: {  	[smem:$0x3FB3] =	sst s10  }
0x38: {  	s10 =	sld [smem:$0x3FB4]  }
0x39: {  	_ = 	snop;
	(pc) =	sbr.ind lr, $3  }
0x3a: {  	_ = 	snop  }
0x3b: {  	_ = 	snop  }
0x3c: {  	p2 =	seq.s32 s10, $0x1;
	s10 =	sld [smem:$0x3FB3]  }
0x3d: {  	_ =	shalt  }
0x3e: {  	_ =	shalt  }
0x3f: {  	_ =	shalt  }
0x40: {  	_ =	shalt  }
0x41: {  	_ =	shalt  }
0x42: {  	_ =	shalt  }
0x43: {  	_ =	shalt  }
0x44: {  	_ =	shalt  }
0x45: {  	_ =	shalt  }
0x46: {  	_ =	shalt  }
0x47: {  	_ =	shalt  }
0x48: {  	_ =	shalt  }
0x49: {  	_ =	shalt  }
0x4a: {  	_ =	shalt  }
0x4b: {  	_ =	shalt  }
0x4c: {  	_ =	shalt  }
0x4d: {  	_ =	shalt  }
0x4e: {  	_ =	shalt  }
0x4f: {  	_ =	shalt  }
0x50: {  	_ =	shalt  }
0x51: {  	_ =	shalt  }
0x52: {  	_ =	shalt  }
0x53: {  	_ =	shalt  }
0x54: {  	_ =	shalt  }
0x55: {  	_ =	shalt  }
0x56: {  	_ =	shalt  }
0x57: {  	_ =	shalt  }
0x58: {  	_ =	shalt  }
0x59: {  	_ =	shalt  }
0x5a: {  	_ =	shalt  }
0x5b: {  	_ =	shalt  }
0x5c: {  	_ =	shalt  }
0x5d: {  	_ =	shalt  }
0x5e: {  	_ =	shalt  }
0x5f: {  	_ =	shalt  }
0x60: {  	_ =	shalt  }
0x61: {  	_ =	shalt  }
0x62: {  	_ =	shalt  }
0x63: {  	_ =	shalt  }
0x64: {  	_ =	shalt  }
0x65: {  	_ =	shalt  }
0x66: {  	_ =	shalt  }
0x67: {  	_ =	shalt  }
0x68: {  	_ =	shalt  }
0x69: {  	_ =	shalt  }
0x6a: {  	_ =	shalt  }
0x6b: {  	_ =	shalt  }
0x6c: {  	_ =	shalt  }
0x6d: {  	_ =	shalt  }
0x6e: {  	_ =	shalt  }
0x6f: {  	_ =	shalt  }
0x70: {  	_ =	shalt  }
0x71: {  	_ =	shalt  }
0x72: {  	_ =	shalt  }
0x73: {  	_ =	shalt  }
0x74: {  	_ =	shalt  }
0x75: {  	_ =	shalt  }
0x76: {  	_ =	shalt  }
0x77: {  	_ =	shalt  }
0x78: {  	_ =	shalt  }
0x79: {  	_ =	shalt  }
0x7a: {  	_ =	shalt  }
0x7b: {  	_ =	shalt  }
0x7c: {  	_ =	shalt  }
0x7d: {  	_ =	shalt  }
0x7e: {  	_ =	shalt  }
0x7f: {  	_ =	shalt  }
0x80: {  	_ =	shalt  }
0x81: {  	_ =	shalt  }
0x82: {  	_ =	shalt  }
0x83: {  	_ =	shalt  }
0x84: {  	_ =	shalt  }
0x85: {  	_ =	shalt  }
0x86: {  	_ =	shalt  }
0x87: {  	_ =	shalt  }
.Lfunc_end0:
.L_simem_size_0:
called_computation.2_lowered:
.L_overlay_start_0:
0x88: {  	s2 =	sld [smem:$0x3FD9]  }
0x89: {  	s3 =	sld [smem:$0x3FFE];
	_ =	sdelay $0x1  }
0x8a: {  	s1 =	srdreg.scid  }
0x8b: {  	s0 =	sand.u32 $0x1, s1  }
0x8c: {  	s16 =	sshll.u32 s0, $0xA;
	s2 =	sadd.s32 s3, s2  }
0x8d: {  	s2 =	sadd.s32 s2, s16  }
0x8e: {  	[smem:$0x3FBF] =	sst s2  }
0x8f: {  	_ = 	snop  }
0x90: {  	(tm) =	ssettm $0x1  }
0x91: {  	s17 =	sld [smem:$0x3FFB];
	_ =	sdelay $0x3  }
0x92: {  	_ =	strace s17  }
0x93: {  	s2 =	sld [smem:$0x3FFC];
	_ =	sdelay $0x3  }
0x94: {  	_ =	strace s2  }
0x95: {  	s2 =	sld [smem:$0x3FFD];
	_ =	sdelay $0x3  }
0x96: {  	_ =	strace s2  }
0x97: {  	_ =	strace $0x8FFFFFFF  }
0x98: {  	s18 =	sld [smem:$0x3FDB];
	_ =	sdelay $0x1  }
0x99: {  	s19 =	simm.s32 $_scs_section_size  }
0x9a: {  	s4 =	simm.s32 $_size__tile_overlayer_lowered;
	s5 =	simm.s32 $_tile_overlayer_lowered  }
0x9b: {  	s22 =	simm.s32 $0x1BFF;
	s21 =	sshll.u32 s5, $0x1;
	s2 =	sadd.s32 s19, s18  }
0x9c: {  	s6 =	simm.s32 $0x0;
	s20 =	sshll.u32 s4, $0x1;
	s4 =	sadd.s32 s21, s2  }
0x9d: {  	[timem:s6], [sflag:s22] =	dma.local [hbm:s4], s20  }
0x9e: {  	_ =	swait.ge [sflag:s22], s20  }
0x9f: {  	s3 =	ssub.s32 $0x0, s20;
	[sflag:s22] =	ssyncset.done $0x0  }
0xa0: {  	[sflag:s22] =	ssyncadd.s32 s3;
	_ =	sdelay $0x1  }
0xa1: {  	s23 =	simm.s32 $0x1B8B  }
0xa2: {  	_ =	swait.ge [sflag:s23], $0x1  }
0xa3: {  	[sflag:s23] =	ssyncset.done $0x0  }
0xa4: {  	s25 =	simm.s32 $0x1B8E;
	s24 =	sld [smem:$0x3FFE];
	[sflag:s23] =	ssyncadd.s32 $0xFFFFFFFF  }
0xa5: {  	s26 =	simm.s32 $execute0_lowered;
	[smem:$0x3FD2] =	sst s25  }
0xa6: {  	s4 =	sshll.u32 s26, $0x1;
	_ =	strace $0x8000004C;
	[dreg:$0x1] =	wrdreg $0xFFFFFFFF  }
0xa7: {  	s28 =	simm.s32 $_size_execute0_lowered;
	s2 =	sadd.s32 s2, s4;
	[dreg:$0x0] =	wrdreg $0x0  }
0xa8: {  	s4 =	sshll.u32 s28, $0x1;
	[dreg:$0x2] =	wrdreg s2  }
0xa9: {  	[dreg:$0x3] =	wrdreg s4  }
0xaa: {  	[dreg:$0x4] =	wrdreg $0xC0  }
0xab: {  	_ =	task [dreg:s6], $0x5FFFF  }
0xac: {  	[dreg:$0x1] =	wrdreg $0xFFFFFFFF  }
0xad: {  	[dreg:$0x0] =	wrdreg $0x60  }
0xae: {  	[dreg:$0x2] =	wrdreg s24  }
0xaf: {  	[dreg:$0x3] =	wrdreg $0x9E200  }
0xb0: {  	[dreg:$0x4] =	wrdreg $0x9  }
0xb1: {  	_ =	task.clear_ibuf [dreg:s6], $0x5FFFF;
	_ =	strace $0x9000004C  }
0xb2: {  	s29 =	simm.s32 $0x9;
	_ =	strace $0x8000004E  }
0xb3: {  	_ =	swait.ge [sflag:s29], $0x1  }
0xb4: {  	[sflag:s29] =	ssyncadd.s32 $0xFFFFFFFF  }
0xb5: {  	_ =	strace $0x9000004E  }
0xb6: {  	_ =	sfence  }
0xb7: {  	s30 =	sld [smem:$0x0];
	_ =	sdelay $0x2  }
0xb8: {  	s31 =	sshll.u32 s1, $0xD;
	s1 =	sshrl.u32 s1, $0x2  }
0xb9: {  	s3 =	sand.u32 $0x4000, s31;
	s1 =	sadd.s32 s1, s30  }
0xba: {  	s0 =	sor.u32 s3, s0;
	s1 =	sshll.u32 s1, $0x11  }
0xbb: {  	s0 =	sor.u32 s1, s0  }
0xbc: {  	s0 =	sadd.s32 $0x8F2B, s0  }
0xbd: {  	[sflag:s0] =	ssyncadd.remote.s32 $0x1  }
0xbe: {  	_ =	sfence.sel $0xFFFF  }
0xbf: {  	[dreg:$0x0] =	wrdreg $0xFFFFFFFF;
	(pc) =	sbr.abs _section_cstart, $3  }
0xc0: {  	[dreg:$0x1] =	wrdreg $0xFFFFFFFF  }
0xc1: {  	_ =	task.clear_ibuf [dreg:s6], $0x2FFFF;
	_ =	strace $0x9FFFFFFF  }
0xc2: {  	(tm) =	ssettm $0x7FFFFFFF  }
0xc3: {  	_ =	shalt  }
tec
execute0_lowered:
.L_overlay_start_1:
0x0: {  	(tag) =	ssettag $0x1  }
0x1: {  	s0 =	srdreg.scid;
	s5 =	rddreg [dreg:$0x0]  }
0x2: {  	s1 =	rddreg [dreg:$0x1];
	s17 =	stileid.u32  }
0x3: {  	s2 =	simm.s32 $0x0;
	s11 =	simm.s32 $0x50;
	s12 =	simm.s32 $0x4E20  }
0x4: {  	s13 =	simm.s32 $0x7620;
	s14 =	simm.s32 $0x1;
	s15 =	simm.s32 $0x2  }
0x5: {  	s16 =	simm.s32 $0x4DD0;
	s4 =	sand.u32 $0x1, s0;
	s0 =	rddreg [dreg:$0x2]  }
0x6: {  	[smem:$0x7FF] =	sst s2;
	s10 =	smul.u32 $0x13800, s17;
	s21 =	sadd.s32 $0x138000, s1  }
0x7: {  	p0 =	sne.s32 s17, $0x0;
	p1 =	sne.s32 s17, $0xF;
	s22 =	sshll.u32 s17, $0x6  }
0x8: {  	s3 =	sshll.u32 s4, $0x4;
	_ =	strace $0x8000004D;
	s7 =	smul.u32 $0x27100, s4  }
0x9: {  	s8 =	ssub.s32 $0x2, s4;
	s4 =	sadd.s32 $0x4C000, s5;
	s21 =	sshrl.u32 @!p1 s21, $0x3  }
0xa: {  	s3 =	sor.u32 s17, s3;
	s9 =	sshrl.u32 s8, $0x1;
	s18 =	sshrl.u32 s10, $0x3  }
0xb: {  	s19 =	sadd.s32 s10, s1;
	s10 =	simm.s32 $0x2710;
	s6 =	smul.u32 $0x4E2, s3  }
0xc: {  	s3 =	sadd.s32 $0x16000, s5;
	s7 =	sadd.s32 s7, s5;
	s8 =	ssub.s32 s8, s9  }
0xd: {  	s9 =	simm.s32 $0x3;
	s19 =	sshrl.u32 s19, $0x3;
	s20 =	sadd.s32 $0x73200, s7  }
0xe: {  	s7 =	smax.u32 s8, $0x1;
	s8 =	sshrl.u32 @!p0 s1, $0x3;
	s6 =	sadd.s32 s6, s5  }
0xf: {  	s17 =	sadd.s32 s18, s20;
	s18 =	sor.u32 $0x1C03, s22;
	s20 =	sadd.s32 @!p1 $0x27000, s20  }
0x10: {  	s22 =	simm.s32 $0x0;
	s5 =	sadd.s32 $0xC200, s6;
	s6 =	sadd.s32 $0x2400, s6  }
.LBB2_1:
0x11: {  	s23 =	simm.s32 @!p0 $0x1C03  }
0x12: {  	[spmem:s8], [sflag:s23] =	dma.local @!p0 [hbm:s4], $0x27100  }
0x13: {  	s23 =	simm.s32 @!p0 $0x3  }
0x14: {  	_ =	swait.ge @!p0 [sflag:s23], $0x27100  }
0x15: {  	[sflag:s23] =	ssyncset.done @!p0 $0x0  }
0x16: {  	[sflag:s23] =	ssyncadd.s32 @!p0 $0xFFFD8F00  }
0x17: {  	[tilespmem:s2], [sflag:$0x3] =	stream.linear.gather [hbm4b:s5+s2], $0x2710, $0x38;
	[tilespmem:$0x1D6A0] =	vst v63  }
0x18: {  	_ =	swait.ge [sflag:s9], $0x2710  }
0x19: {  	[sflag:s9] =	ssyncset.done $0x0  }
0x1a: {  	[sflag:s9] =	ssyncadd.s32 $0xFFFFD8F0  }
0x1b: {  	[tilespmem:s10], [sflag:$0x3] =	stream.linear.gather [hbm4b:s6+s2], $0x2710, $0x38;
	[tilespmem:$0x1D6A0] =	vst v63  }
0x1c: {  	_ =	swait.ge [sflag:s9], $0x2710  }
0x1d: {  	[sflag:s9] =	ssyncset.done $0x0  }
0x1e: {  	[sflag:s9] =	ssyncadd.s32 $0xFFFFD8F0  }
0x1f: {  	[bflag:$0x0] =	sbarrier.arrive $0xFFFF  }
0x20: {  	[tilespmem:s12], [sflag:$0x1] =	stream.indirect.gather [hbm4b:s3+s11], $0x80, s2, s11, $0xb8;
	[tilespmem:$0x1D6A0] =	vst v63  }
0x21: {  	s28 =	simm.s32 $0x50  }
0x22: {  	[tilespmem:s13], [sflag:$0x2] =	stream.indirect.gather [hbm4b:s3+s11], $0x80, s28, s11, $0xb8;
	[tilespmem:$0x1D6A0] =	vst v63  }
0x23: {  	_ =	swait.ge [sflag:s14], $0x2800  }
0x24: {  	[sflag:s14] =	ssyncset.done $0x0  }
0x25: {  	s29 =	simm.s32 $0x2710;
	[sflag:s14] =	ssyncadd.s32 $0xFFFFD800  }
0x26: {  	[spmem:s1] =	stream.indirect.scatter.add.f32 [tilespmem:s12], [sflag:$0x3], $0x80, s29, s11, $0xb8;
	[tilespmem:$0x1D6A0] =	vst v63  }
0x27: {  	_ =	swait.ge [sflag:s9], $0x2800  }
0x28: {  	[sflag:s9] =	ssyncset.done $0x0  }
0x29: {  	s30 =	simm.s32 $0xA0;
	[sflag:s9] =	ssyncadd.s32 $0xFFFFD800  }
0x2a: {  	[tilespmem:s12], [sflag:$0x1] =	stream.indirect.gather [hbm4b:s3+s11], $0x80, s30, s11, $0xb8;
	[tilespmem:$0x1D6A0] =	vst v63  }
0x2b: {  	_ =	swait.ge [sflag:s15], $0x2800  }
0x2c: {  	[sflag:s15] =	ssyncset.done $0x0  }
0x2d: {  	s31 =	simm.s32 $0x2760;
	[sflag:s15] =	ssyncadd.s32 $0xFFFFD800  }
0x2e: {  	[spmem:s1] =	stream.indirect.scatter.add.f32 [tilespmem:s13], [sflag:$0x3], $0x80, s31, s11, $0xb8;
	[tilespmem:$0x1D6A0] =	vst v63  }
0x2f: {  	_ =	swait.ge [sflag:s9], $0x2800  }
0x30: {  	s24 =	simm.s32 $0x500;
	s23 =	simm.s32 $0xA0;
	[sflag:s9] =	ssyncset.done $0x0  }
.LBB2_2:
0x31: {  	s25 =	sadd.s32 $0x50, s23  }
0x32: {  	[sflag:s9] =	ssyncadd.s32 $0xFFFFD800;
	s26 =	smov.u32 s24;
	s28 =	sadd.s32 $0x280, s24  }
0x33: {  	[tilespmem:s13], [sflag:$0x2] =	stream.indirect.gather [hbm4b:s3+s11], $0x80, s25, s11, $0xb8;
	[tilespmem:$0x1D6A0] =	vst v63  }
0x34: {  	p2 =	sne.s32 s24, $0x9880;
	_ =	swait.ge [sflag:s14], $0x2800  }
0x35: {  	[sflag:s14] =	ssyncset.done $0x0  }
0x36: {  	s24 =	sadd.s32 $0x2710, s23;
	[sflag:s14] =	ssyncadd.s32 $0xFFFFD800  }
0x37: {  	[spmem:s1] =	stream.indirect.scatter.add.f32 [tilespmem:s12], [sflag:$0x3], $0x80, s24, s11, $0xb8;
	[tilespmem:$0x1D6A0] =	vst v63  }
0x38: {  	_ =	swait.ge [sflag:s9], $0x2800  }
0x39: {  	[sflag:s9] =	ssyncset.done $0x0  }
0x3a: {  	s24 =	sadd.s32 $0xA0, s23;
	[sflag:s9] =	ssyncadd.s32 $0xFFFFD800  }
0x3b: {  	[tilespmem:s12], [sflag:$0x1] =	stream.indirect.gather [hbm4b:s3+s11], $0x80, s24, s11, $0xb8;
	[tilespmem:$0x1D6A0] =	vst v63  }
0x3c: {  	_ =	swait.ge [sflag:s15], $0x2800  }
.Ltmp0:
0x3d: {  	[sflag:s15] =	ssyncset.done $0x0;
	(pc) =	sbr.rel @p2 .LBB2_2-.Ltmp0, $4  }
0x3e: {  	s23 =	sadd.s32 $0x2760, s23;
	[sflag:s15] =	ssyncadd.s32 $0xFFFFD800  }
0x3f: {  	[spmem:s1] =	stream.indirect.scatter.add.f32 [tilespmem:s13], [sflag:$0x3], $0x80, s23, s11, $0xb8;
	[tilespmem:$0x1D6A0] =	vst v63  }
0x40: {  	_ =	swait.ge [sflag:s9], $0x2800  }
0x41: {  	s24 =	smov.u32 s28;
	s23 =	sshra.s32 s26, $0x2;
	[sflag:s9] =	ssyncset.done $0x0  }
0x42: {  	s24 =	sadd.s32 $0x50, s23;
	[sflag:s9] =	ssyncadd.s32 $0xFFFFD800  }
0x43: {  	[tilespmem:s13], [sflag:$0x2] =	stream.indirect.gather [hbm4b:s3+s11], $0x80, s24, s11, $0xb8;
	[tilespmem:$0x1D6A0] =	vst v63  }
0x44: {  	_ =	swait.ge [sflag:s14], $0x2800  }
0x45: {  	[sflag:s14] =	ssyncset.done $0x0  }
0x46: {  	s29 =	sadd.s32 $0x2710, s23;
	[sflag:s14] =	ssyncadd.s32 $0xFFFFD800  }
0x47: {  	[spmem:s1] =	stream.indirect.scatter.add.f32 [tilespmem:s12], [sflag:$0x3], $0x80, s29, s11, $0xb8;
	[tilespmem:$0x1D6A0] =	vst v63  }
0x48: {  	_ =	swait.ge [sflag:s9], $0x2800  }
0x49: {  	[sflag:s9] =	ssyncset.done $0x0  }
0x4a: {  	s30 =	sadd.s32 $0xA0, s23;
	[sflag:s9] =	ssyncadd.s32 $0xFFFFD800  }
0x4b: {  	[tilespmem:s12], [sflag:$0x1] =	stream.indirect.gather [hbm4b:s3+s11], $0x80, s30, s11, $0xb8;
	[tilespmem:$0x1D6A0] =	vst v63  }
0x4c: {  	_ =	swait.ge [sflag:s15], $0x2800  }
0x4d: {  	[sflag:s15] =	ssyncset.done $0x0  }
0x4e: {  	s31 =	sadd.s32 $0x2760, s23;
	[sflag:s15] =	ssyncadd.s32 $0xFFFFD800  }
0x4f: {  	[spmem:s1] =	stream.indirect.scatter.add.f32 [tilespmem:s13], [sflag:$0x3], $0x80, s31, s11, $0xb8;
	[tilespmem:$0x1D6A0] =	vst v63  }
0x50: {  	_ =	swait.ge [sflag:s9], $0x2800  }
0x51: {  	[sflag:s9] =	ssyncset.done $0x0  }
0x52: {  	[sflag:s9] =	ssyncadd.s32 $0xFFFFD800  }
0x53: {  	_ =	swait.ge [sflag:s14], $0x2800  }
0x54: {  	[sflag:s14] =	ssyncset.done $0x0  }
0x55: {  	[sflag:s14] =	ssyncadd.s32 $0xFFFFD800  }
0x56: {  	[spmem:s1] =	stream.indirect.scatter.add.f32 [tilespmem:s12], [sflag:$0x3], $0x80, s16, s11, $0xb8;
	[tilespmem:$0x1D6A0] =	vst v63  }
0x57: {  	_ =	swait.ge [sflag:s9], $0x2800  }
0x58: {  	[sflag:s9] =	ssyncset.done $0x0  }
0x59: {  	[sflag:s9] =	ssyncadd.s32 $0xFFFFD800  }
0x5a: {  	[bflag:$0x0] =	sbarrier.arrive $0xFFFF  }
0x5b: {  	[hbm:s17], [sflag:s18] =	dma.local [spmem:s19], $0x2700  }
0x5c: {  	s22 =	sadd.s32 $0x1, s22;
	_ =	swait.ge [sflag:s9], $0x2700  }
0x5d: {  	p2 =	sne.s32 s22, s7;
	[sflag:s9] =	ssyncset.done $0x0  }
.Ltmp1:
0x5e: {  	s23 =	simm.s32 @!p1 $0x3;
	[sflag:s9] =	ssyncadd.s32 $0xFFFFD900;
	(pc) =	sbr.rel @p2 .LBB2_1-.Ltmp1, $4  }
0x5f: {  	[hbm:s20], [sflag:s18] =	dma.local @!p1 [spmem:s21], $0x100  }
0x60: {  	_ =	swait.ge @!p1 [sflag:s23], $0x100  }
0x61: {  	[sflag:s23] =	ssyncset.done @!p1 $0x0  }
0x62: {  	[sflag:s23] =	ssyncadd.s32 @!p1 $0xFFFFFF00  }
0x63: {  	_ =	sfence.sel $0x180000  }
0x64: {  	[bflag:$0x0] =	sbarrier.arrive $0xFFFF  }
0x65: {  	_ =	strace $0x9000004D  }
0x66: {  	s0 =	sadd.s32 @!p0 $0x100000, s0;
	[bflag:$0x2] =	sbarrier.arrive $0xFFFF  }
0x67: {  	[sflag:s0] =	ssyncadd.tile.s32 @!p0 $0x1;
	_ =	shalt  }
.Lfunc_end2:
_tile_overlayer_lowered:
.L_overlay_start_2:
0x68: {  	(tag) =	ssettag $0x2  }
0x69: {  	s0 =	rddreg [dreg:$0x0];
	s2 =	stileid.u32  }
0x6a: {  	s1 =	rddreg [dreg:$0x1];
	p0 =	sne.s32 s2, $0x0  }
0x6b: {  	s3 =	rddreg [dreg:$0x2];
	[bflag:$0x3] =	sbarrier.arrive $0xFFFF;
	s2 =	simm.s32 @!p0 $0x1C03  }
0x6c: {  	[timem:s3], [sflag:s2] =	dma.local @!p0 [hbm:s0], s1  }
0x6d: {  	s0 =	simm.s32 @!p0 $0x3  }
0x6e: {  	_ =	swait.ge @!p0 [sflag:s0], s1  }
0x6f: {  	s1 =	ssub.s32 @!p0 $0x0, s1;
	[sflag:s0] =	ssyncset.done @!p0 $0x0  }
0x70: {  	[sflag:s0] =	ssyncadd.s32 @!p0 s1  }
0x71: {  	[bflag:$0x3] =	sbarrier.arrive $0xFFFF  }
0x72: {  	_ =	shalt  }

// kernel: kernel.8.cloned.1.call-start
scs
__scs_entry_jumppad:
0x0: {  	(pc) =	sbr.rel $0x88, $3  }
0x1: {  	(tag) =	ssettag $0x0;
	lr =	simm.s32 $0x1  }
0x2: {  	[smem:$0x3F98] =	sst lr;
	_ =	strace $0xD0000000  }
0x3: {  	_ = 	snop  }
0x4: {  	_ = 	snop  }
0x5: {  	_ = 	snop  }
0x6: {  	_ = 	snop  }
0x7: {  	_ = 	snop  }
__scs_overlays_trampoline_lowered:
0x8: {  	[smem:$0x3FA7] =	sst s0  }
0x9: {  	[smem:$0x3FA8] =	sst s1  }
0xa: {  	[smem:$0x3FA9] =	sst s2  }
0xb: {  	[smem:$0x3FAA] =	sst s3  }
0xc: {  	[smem:$0x3FAB] =	sst s4  }
0xd: {  	[smem:$0x3FAC] =	sst s5  }
0xe: {  	[smem:$0x3FAD] =	sst s6  }
0xf: {  	[smem:$0x3FAE] =	sst s7  }
0x10: {  	[smem:$0x3FAF] =	sst s8  }
0x11: {  	[smem:$0x3FB0] =	sst s9;
	s0 =	simm.s32 @!p0 $0x0  }
0x12: {  	s1 =	sld [smem:$0x3F96];
	s0 =	simm.s32 @p0 $0x1  }
0x13: {  	[smem:$0x3FB1] =	sst s0;
	s0 =	simm.s32 @!p1 $0x0  }
0x14: {  	s2 =	sld [smem:$0x3F95];
	s0 =	simm.s32 @p1 $0x1  }
0x15: {  	[smem:$0x3FB2] =	sst s0;
	s0 =	simm.s32 @!p2 $0x0  }
0x16: {  	s3 =	sld [smem:$0x3FDB];
	s0 =	simm.s32 @p2 $0x1  }
0x17: {  	s4 =	simm.s32 $0x1BF5;
	[smem:$0x3FB4] =	sst s0  }
0x18: {  	s0 =	sld [smem:$0x3F97];
	_ =	swait.ge [sflag:s4], $0x0  }
0x19: {  	s7 =	sld [smem:$0x3F98]  }
0x1a: {  	s8 =	sadd.s32 $0xFFFFE003, lr  }
0x1b: {  	s9 =	sadd.s32 $0xFFFFFEF7, lr;
	s5 =	simm.s32 $0xFFFFFFFF;
	p2 =	slt.u32 s8, $0xFFFFF086  }
0x1c: {  	p1 =	slt.u32 s9, $0xF7A;
	s5 =	simm.s32 @!p2 $0x0  }
0x1d: {  	s5 =	simm.s32 @p1 $0x1;
	p0 =	seq.s32 s7, s2  }
0x1e: {  	s7 =	smul.u32 @!p0 $0xF7A, s2;
	p2 =	seq.s32 @!p0 s5, $0x0  }
0x1f: {  	s9 =	smul.u32 $0xF7A, s1;
	s8 =	simm.s32 @!p0 $0x1BF5;
	p2 =	por !p2, p0  }
0x20: {  	[sflag:s8] =	ssyncset.s32 @!p0 $0xFFFFF086;
	s6 =	sadd.s32 @!p0 s3, s7;
	s7 =	simm.s32 @!p0 $0x108  }
0x21: {  	s3 =	sadd.s32 s3, s9;
	s6 =	sadd.s32 @!p0 $0x88, s6;
	s7 =	simm.s32 @p2 $0x1082  }
0x22: {  	[simem:s7], [sflag:s8] =	dma.local @!p0 [hbm:s6], $0xF7A  }
0x23: {  	s9 =	sor.u32 $0xD0000000, s2;
	s6 =	simm.s32 $0x108;
	_ =	swait.ge @!p0 [sflag:s8], $0x0  }
0x24: {  	s3 =	sadd.s32 $0x88, s3;
	s6 =	simm.s32 @!p1 $0x1082;
	[sflag:s4] =	ssyncset.s32 $0xFFFFF086  }
0x25: {  	[simem:s6], [sflag:s4] =	dma.local [hbm:s3], $0xF7A  }
0x26: {  	[smem:$0x3F98] =	sst s1;
	(tag) =	ssettag s2;
	_ =	strace s9  }
0x27: {  	s1 =	sld [smem:$0x3FA8]  }
0x28: {  	s2 =	sld [smem:$0x3FA9]  }
0x29: {  	s4 =	sld [smem:$0x3FAB]  }
0x2a: {  	p0 =	seq.s32 s5, $0x0;
	s5 =	sld [smem:$0x3FAC]  }
0x2b: {  	s6 =	sld [smem:$0x3FAD]  }
0x2c: {  	s7 =	sld [smem:$0x3FAE]  }
0x2d: {  	s3 =	simm.s32 $0x108;
	s8 =	sld [smem:$0x3FAF]  }
0x2e: {  	s3 =	simm.s32 @!p0 $0x1082;
	s9 =	sld [smem:$0x3FB0]  }
0x2f: {  	lr =	sadd.s32 s0, s3;
	s0 =	sld [smem:$0x3FA7]  }
0x30: {  	s3 =	sld [smem:$0x3FAA]  }
0x31: {  	[smem:$0x3FB3] =	sst s10  }
0x32: {  	s10 =	sld [smem:$0x3FB1];
	_ =	sdelay $0x3  }
0x33: {  	p0 =	seq.s32 s10, $0x1;
	s10 =	sld [smem:$0x3FB3];
	_ =	sdelay $0x3  }
0x34: {  	[smem:$0x3FB3] =	sst s10  }
0x35: {  	s10 =	sld [smem:$0x3FB2];
	_ =	sdelay $0x3  }
0x36: {  	p1 =	seq.s32 s10, $0x1;
	s10 =	sld [smem:$0x3FB3];
	_ =	sdelay $0x3  }
0x37: {  	[smem:$0x3FB3] =	sst s10  }
0x38: {  	s10 =	sld [smem:$0x3FB4]  }
0x39: {  	_ = 	snop;
	(pc) =	sbr.ind lr, $3  }
0x3a: {  	_ = 	snop  }
0x3b: {  	_ = 	snop  }
0x3c: {  	p2 =	seq.s32 s10, $0x1;
	s10 =	sld [smem:$0x3FB3]  }
0x3d: {  	_ =	shalt  }
0x3e: {  	_ =	shalt  }
0x3f: {  	_ =	shalt  }
0x40: {  	_ =	shalt  }
0x41: {  	_ =	shalt  }
0x42: {  	_ =	shalt  }
0x43: {  	_ =	shalt  }
0x44: {  	_ =	shalt  }
0x45: {  	_ =	shalt  }
0x46: {  	_ =	shalt  }
0x47: {  	_ =	shalt  }
0x48: {  	_ =	shalt  }
0x49: {  	_ =	shalt  }
0x4a: {  	_ =	shalt  }
0x4b: {  	_ =	shalt  }
0x4c: {  	_ =	shalt  }
0x4d: {  	_ =	shalt  }
0x4e: {  	_ =	shalt  }
0x4f: {  	_ =	shalt  }
0x50: {  	_ =	shalt  }
0x51: {  	_ =	shalt  }
0x52: {  	_ =	shalt  }
0x53: {  	_ =	shalt  }
0x54: {  	_ =	shalt  }
0x55: {  	_ =	shalt  }
0x56: {  	_ =	shalt  }
0x57: {  	_ =	shalt  }
0x58: {  	_ =	shalt  }
0x59: {  	_ =	shalt  }
0x5a: {  	_ =	shalt  }
0x5b: {  	_ =	shalt  }
0x5c: {  	_ =	shalt  }
0x5d: {  	_ =	shalt  }
0x5e: {  	_ =	shalt  }
0x5f: {  	_ =	shalt  }
0x60: {  	_ =	shalt  }
0x61: {  	_ =	shalt  }
0x62: {  	_ =	shalt  }
0x63: {  	_ =	shalt  }
0x64: {  	_ =	shalt  }
0x65: {  	_ =	shalt  }
0x66: {  	_ =	shalt  }
0x67: {  	_ =	shalt  }
0x68: {  	_ =	shalt  }
0x69: {  	_ =	shalt  }
0x6a: {  	_ =	shalt  }
0x6b: {  	_ =	shalt  }
0x6c: {  	_ =	shalt  }
0x6d: {  	_ =	shalt  }
0x6e: {  	_ =	shalt  }
0x6f: {  	_ =	shalt  }
0x70: {  	_ =	shalt  }
0x71: {  	_ =	shalt  }
0x72: {  	_ =	shalt  }
0x73: {  	_ =	shalt  }
0x74: {  	_ =	shalt  }
0x75: {  	_ =	shalt  }
0x76: {  	_ =	shalt  }
0x77: {  	_ =	shalt  }
0x78: {  	_ =	shalt  }
0x79: {  	_ =	shalt  }
0x7a: {  	_ =	shalt  }
0x7b: {  	_ =	shalt  }
0x7c: {  	_ =	shalt  }
0x7d: {  	_ =	shalt  }
0x7e: {  	_ =	shalt  }
0x7f: {  	_ =	shalt  }
0x80: {  	_ =	shalt  }
0x81: {  	_ =	shalt  }
0x82: {  	_ =	shalt  }
0x83: {  	_ =	shalt  }
0x84: {  	_ =	shalt  }
0x85: {  	_ =	shalt  }
0x86: {  	_ =	shalt  }
0x87: {  	_ =	shalt  }
.Lfunc_end0:
.L_simem_size_0:
called_computation_lowered:
.L_overlay_start_0:
0x88: {  	s2 =	sld [smem:$0x3FD9]  }
0x89: {  	s3 =	sld [smem:$0x3FFE];
	_ =	sdelay $0x1  }
0x8a: {  	s1 =	srdreg.scid  }
0x8b: {  	s0 =	sand.u32 $0x1, s1  }
0x8c: {  	s17 =	sshll.u32 s0, $0xA;
	s2 =	sadd.s32 s3, s2  }
0x8d: {  	s2 =	sadd.s32 s2, s17  }
0x8e: {  	[smem:$0x3FBF] =	sst s2  }
0x8f: {  	_ = 	snop  }
0x90: {  	s2 =	sld [smem:$0x3FD0];
	(tm) =	ssettm $0x1  }
0x91: {  	s18 =	sld [smem:$0x3FFB];
	_ =	sdelay $0x3  }
0x92: {  	_ =	strace s18  }
0x93: {  	s3 =	sld [smem:$0x3FFC];
	_ =	sdelay $0x3  }
0x94: {  	_ =	strace s3  }
0x95: {  	s3 =	sld [smem:$0x3FFD];
	_ =	sdelay $0x3  }
0x96: {  	_ =	strace s3  }
0x97: {  	_ =	strace $0x8FFFFFFF  }
0x98: {  	s19 =	sld [smem:$0x3FDB];
	_ =	sdelay $0x1  }
0x99: {  	s4 =	simm.s32 $_scs_section_size  }
0x9a: {  	s5 =	simm.s32 $_size__tile_overlayer_lowered;
	s6 =	simm.s32 $_tile_overlayer_lowered  }
0x9b: {  	s22 =	simm.s32 $0x1BFF;
	s21 =	sshll.u32 s6, $0x1;
	s3 =	sadd.s32 s4, s19  }
0x9c: {  	s7 =	simm.s32 $0x0;
	s20 =	sshll.u32 s5, $0x1;
	s5 =	sadd.s32 s21, s3  }
0x9d: {  	[timem:s7], [sflag:s22] =	dma.local [hbm:s5], s20  }
0x9e: {  	_ =	swait.ge [sflag:s22], s20  }
0x9f: {  	s4 =	ssub.s32 $0x0, s20;
	[sflag:s22] =	ssyncset.done $0x0  }
0xa0: {  	[sflag:s22] =	ssyncadd.s32 s4;
	_ =	sdelay $0x1  }
0xa1: {  	s23 =	simm.s32 $0x1B8B  }
0xa2: {  	_ =	swait.ge [sflag:s23], $0x1  }
0xa3: {  	[sflag:s23] =	ssyncset.done $0x0  }
0xa4: {  	s25 =	simm.s32 $0x1B8E;
	s24 =	sld [smem:$0x3FFE];
	[sflag:s23] =	ssyncadd.s32 $0xFFFFFFFF  }
0xa5: {  	s26 =	simm.s32 $execute0_lowered;
	[smem:$0x3FD2] =	sst s25  }
0xa6: {  	s5 =	sshll.u32 s26, $0x1;
	_ =	strace $0x80000046;
	[dreg:$0x1] =	wrdreg $0xFFFFFFFF  }
0xa7: {  	s28 =	simm.s32 $_size_execute0_lowered;
	s3 =	sadd.s32 s3, s5;
	[dreg:$0x0] =	wrdreg $0x0  }
0xa8: {  	s5 =	sshll.u32 s28, $0x1;
	[dreg:$0x2] =	wrdreg s3  }
0xa9: {  	[dreg:$0x3] =	wrdreg s5  }
0xaa: {  	[dreg:$0x4] =	wrdreg $0xC0  }
0xab: {  	_ =	task [dreg:s7], $0x5FFFF  }
0xac: {  	[dreg:$0x1] =	wrdreg $0xFFFFFFFF  }
0xad: {  	[dreg:$0x0] =	wrdreg $0x60  }
0xae: {  	[dreg:$0x2] =	wrdreg s24  }
0xaf: {  	[dreg:$0x3] =	wrdreg s2  }
0xb0: {  	[dreg:$0x4] =	wrdreg $0x2C100  }
0xb1: {  	[dreg:$0x5] =	wrdreg $0x9  }
0xb2: {  	_ =	task.clear_ibuf [dreg:s7], $0x6FFFF;
	_ =	strace $0x90000046  }
0xb3: {  	s29 =	simm.s32 $0x9;
	_ =	strace $0x80000048  }
0xb4: {  	_ =	swait.ge [sflag:s29], $0x1  }
0xb5: {  	[sflag:s29] =	ssyncadd.s32 $0xFFFFFFFF  }
0xb6: {  	_ =	strace $0x90000048  }
0xb7: {  	_ =	sfence  }
0xb8: {  	s30 =	sld [smem:$0x0];
	_ =	sdelay $0x2  }
0xb9: {  	s31 =	sshll.u32 s1, $0xD;
	s1 =	sshrl.u32 s1, $0x2  }
0xba: {  	s3 =	sand.u32 $0x4000, s31;
	s1 =	sadd.s32 s1, s30  }
0xbb: {  	s0 =	sor.u32 s3, s0;
	s1 =	sshll.u32 s1, $0x11  }
0xbc: {  	s0 =	sor.u32 s1, s0  }
0xbd: {  	s0 =	sadd.s32 $0x8F2B, s0  }
0xbe: {  	[sflag:s0] =	ssyncadd.remote.s32 $0x1  }
0xbf: {  	_ =	sfence.sel $0xFFFF  }
0xc0: {  	[dreg:$0x0] =	wrdreg $0xFFFFFFFF;
	(pc) =	sbr.abs _section_cstart, $3  }
0xc1: {  	[dreg:$0x1] =	wrdreg $0xFFFFFFFF  }
0xc2: {  	_ =	task.clear_ibuf [dreg:s7], $0x2FFFF;
	_ =	strace $0x9FFFFFFF  }
0xc3: {  	(tm) =	ssettm $0x7FFFFFFF  }
tec
execute0_lowered:
.L_overlay_start_1:
0x0: {  	(tag) =	ssettag $0x1  }
0x1: {  	s5 =	rddreg [dreg:$0x0]  }
0x2: {  	s0 =	srdreg.scid;
	s1 =	rddreg [dreg:$0x1]  }
0x3: {  	s2 =	rddreg [dreg:$0x2];
	s11 =	stileid.u32  }
0x4: {  	s3 =	simm.s32 $0x0;
	s4 =	sand.u32 $0x1, s0;
	s0 =	rddreg [dreg:$0x3]  }
0x5: {  	[smem:$0x7FF] =	sst s3;
	s10 =	smul.u32 $0x2700, s11  }
0x6: {  	s15 =	sadd.s32 $0x27000, s2;
	p0 =	sne.s32 s11, $0x0;
	p1 =	sne.s32 s11, $0xF  }
0x7: {  	s16 =	sshll.u32 s11, $0x6;
	s6 =	sshll.u32 s4, $0x4;
	_ =	strace $0x80000047  }
0x8: {  	s7 =	smul.u32 $0x4E20, s4;
	s8 =	ssub.s32 $0x2, s4;
	s4 =	sadd.s32 $0x16000, s5  }
0x9: {  	s15 =	sshrl.u32 @!p1 s15, $0x3;
	s6 =	sor.u32 s11, s6;
	s9 =	sshrl.u32 s8, $0x1  }
0xa: {  	s12 =	sshrl.u32 s10, $0x3;
	s13 =	sadd.s32 s10, s2;
	s10 =	simm.s32 $0x50  }
0xb: {  	s6 =	smul.u32 $0x4E2, s6;
	s7 =	sadd.s32 s7, s5;
	s8 =	ssub.s32 s8, s9  }
0xc: {  	s9 =	simm.s32 $0x1;
	s13 =	sshrl.u32 s13, $0x3;
	s14 =	sadd.s32 $0x1B000, s7  }
0xd: {  	s7 =	sshrl.u32 @!p0 s2, $0x3;
	s6 =	sadd.s32 s6, s5;
	s11 =	sadd.s32 s12, s14  }
0xe: {  	s12 =	sor.u32 $0x1C01, s16;
	s14 =	sadd.s32 @!p1 $0x4E00, s14;
	s16 =	simm.s32 $0x0  }
0xf: {  	s5 =	sadd.s32 $0x2400, s6;
	s6 =	smax.u32 s8, $0x1;
	s8 =	simm.s32 $0x2710  }
.LBB2_1:
0x10: {  	s17 =	simm.s32 @!p0 $0x1C01  }
0x11: {  	[spmem:s7], [sflag:s17] =	dma.local @!p0 [hbm:s4], $0x4E20  }
0x12: {  	s17 =	simm.s32 @!p0 $0x1  }
0x13: {  	_ =	swait.ge @!p0 [sflag:s17], $0x4E20  }
0x14: {  	[sflag:s17] =	ssyncset.done @!p0 $0x0  }
0x15: {  	[sflag:s17] =	ssyncadd.s32 @!p0 $0xFFFFB1E0  }
0x16: {  	[tilespmem:s8], [sflag:$0x1] =	stream.linear.gather [hbm4b:s1+s3], $0x500, $0x38;
	[tilespmem:$0x5320] =	vst v63  }
0x17: {  	_ =	swait.ge [sflag:s9], $0x500  }
0x18: {  	[sflag:s9] =	ssyncset.done $0x0  }
0x19: {  	[sflag:s9] =	ssyncadd.s32 $0xFFFFFB00  }
0x1a: {  	[tilespmem:s3], [sflag:$0x1] =	stream.linear.gather [hbm4b:s5+s3], $0x2710, $0x38;
	[tilespmem:$0x5320] =	vst v63  }
0x1b: {  	_ =	swait.ge [sflag:s9], $0x2710  }
0x1c: {  	[sflag:s9] =	ssyncset.done $0x0  }
0x1d: {  	[sflag:s9] =	ssyncadd.s32 $0xFFFFD8F0  }
0x1e: {  	s31 =	simm.s32 $0x0;
	[bflag:$0x0] =	sbarrier.arrive $0xFFFF  }
0x1f: {  	[spmem:s2] =	stream.indirect.scatter.add.f32 [tilespmem:s8], [sflag:$0x1], $0x10, s31, s10, $0xb8;
	[tilespmem:$0x5320] =	vst v63  }
0x20: {  	_ =	swait.ge [sflag:s9], $0x500  }
0x21: {  	s17 =	simm.s32 $0x140;
	[sflag:s9] =	ssyncset.done $0x0  }
.LBB2_2:
0x22: {  	s18 =	sshra.s32 s17, $0x2;
	[sflag:s9] =	ssyncadd.s32 $0xFFFFFB00;
	p2 =	sne.s32 s17, $0x9B00  }
0x23: {  	[spmem:s2] =	stream.indirect.scatter.add.f32 [tilespmem:s8], [sflag:$0x1], $0x10, s18, s10, $0xb8;
	[tilespmem:$0x5320] =	vst v63  }
.Ltmp0:
0x24: {  	_ = 	snop;
	(pc) =	sbr.rel @p2 .LBB2_2-.Ltmp0, $4  }
0x25: {  	_ = 	snop  }
0x26: {  	s17 =	sadd.s32 $0x140, s17  }
0x27: {  	_ =	swait.ge [sflag:s9], $0x500  }
0x28: {  	[sflag:s9] =	ssyncset.done $0x0  }
0x29: {  	[sflag:s9] =	ssyncadd.s32 $0xFFFFFB00  }
0x2a: {  	[bflag:$0x0] =	sbarrier.arrive $0xFFFF  }
0x2b: {  	[hbm:s11], [sflag:s12] =	dma.local [spmem:s13], $0x4E0  }
0x2c: {  	s16 =	sadd.s32 $0x1, s16;
	_ =	swait.ge [sflag:s9], $0x4E0  }
0x2d: {  	p2 =	sne.s32 s16, s6;
	[sflag:s9] =	ssyncset.done $0x0  }
.Ltmp1:
0x2e: {  	s17 =	simm.s32 @!p1 $0x1;
	[sflag:s9] =	ssyncadd.s32 $0xFFFFFB20;
	(pc) =	sbr.rel @p2 .LBB2_1-.Ltmp1, $4  }
0x2f: {  	[hbm:s14], [sflag:s12] =	dma.local @!p1 [spmem:s15], $0x20  }
0x30: {  	_ =	swait.ge @!p1 [sflag:s17], $0x20  }
0x31: {  	[sflag:s17] =	ssyncset.done @!p1 $0x0  }
0x32: {  	[sflag:s17] =	ssyncadd.s32 @!p1 $0xFFFFFFE0  }
0x33: {  	_ =	sfence.sel $0x180000  }
0x34: {  	[bflag:$0x0] =	sbarrier.arrive $0xFFFF  }
0x35: {  	_ =	strace $0x90000047  }
0x36: {  	s0 =	sadd.s32 @!p0 $0x100000, s0;
	[bflag:$0x2] =	sbarrier.arrive $0xFFFF  }
0x37: {  	[sflag:s0] =	ssyncadd.tile.s32 @!p0 $0x1;
	_ =	shalt  }
.Lfunc_end2:
_tile_overlayer_lowered:
.L_overlay_start_2:
0x38: {  	(tag) =	ssettag $0x2  }
0x39: {  	s0 =	rddreg [dreg:$0x0];
	s2 =	stileid.u32  }
0x3a: {  	s1 =	rddreg [dreg:$0x1];
	p0 =	sne.s32 s2, $0x0  }
0x3b: {  	s3 =	rddreg [dreg:$0x2];
	[bflag:$0x3] =	sbarrier.arrive $0xFFFF;
	s2 =	simm.s32 @!p0 $0x1C01  }
0x3c: {  	[timem:s3], [sflag:s2] =	dma.local @!p0 [hbm:s0], s1  }
0x3d: {  	s0 =	simm.s32 @!p0 $0x1  }
0x3e: {  	_ =	swait.ge @!p0 [sflag:s0], s1  }
0x3f: {  	s1 =	ssub.s32 @!p0 $0x0, s1;
	[sflag:s0] =	ssyncset.done @!p0 $0x0  }
0x40: {  	[sflag:s0] =	ssyncadd.s32 @!p0 s1  }
0x41: {  	[bflag:$0x3] =	sbarrier.arrive $0xFFFF  }
0x42: {  	_ =	shalt  }

</sc_bundles>
